<compile_context>
chip_gen: v7x
topology: tpu7x:2x2x1
jax: 0.10.2.dev20260603
libtpu: 0.0.44.dev20260713+nightly
codegen_flags: <defaults>
</compile_context>

<pallas_src>
import jax
import jax.numpy as jnp
from jax import lax
from jax.experimental import pallas as pl
from jax.experimental.pallas import tpu as pltpu
from jax.experimental.pallas import tpu_sc as plsc

_P = 4096
_NC = 2
_NS = 16
_L = 16


def _argmin_body(z_ref, emb_ref, jf_ref, idx_ref):
    zb = jnp.concatenate([z_ref[i] for i in range(z_ref.shape[0])], axis=1)
    e = emb_ref[...]
    zn = jnp.sum(zb * zb, axis=0, keepdims=True)
    en = jnp.sum(e * e, axis=1, keepdims=True)
    s = lax.dot_general(
        e, zb, (((1,), (0,)), ((), ())),
        preferred_element_type=jnp.float32)
    d = (zn + en) - 2.0 * s
    m = jnp.min(d, axis=0, keepdims=True)
    idxf = jnp.min(jnp.where(d == m, jf_ref[...], jnp.float32(d.shape[0])),
                   axis=0)
    idx_ref[0, 0, :] = idxf.astype(jnp.int32)


def _gather_body(embt_hbm, idx_hbm, out_hbm, row_v, idx_v, out_v,
                 sem_in, sem_out):
    B = idx_hbm.shape[0]
    w = lax.axis_index("s") * _NC + lax.axis_index("c")
    h_row = pltpu.async_copy(embt_hbm.at[w], row_v, sem_in)
    h_idx = pltpu.async_copy(idx_hbm, idx_v, sem_in)
    h_row.wait()
    h_idx.wait()

    def per_batch(b, carry):
        G = 8
        for g in range(idx_hbm.shape[1] // (_L * G)):
            base = g * _L * G
            ivs = [idx_v[b, pl.ds(base + k * _L, _L)] for k in range(G)]
            outs = [plsc.load_gather(row_v, [iv]) for iv in ivs]
            for k in range(G):
                out_v[b, pl.ds(base + k * _L, _L)] = outs[k]
        return carry

    lax.fori_loop(0, B, per_batch, 0)
    pltpu.async_copy(out_v, out_hbm.at[:, w], sem_out).wait()


def kernel(z, emb_weight):
    B, C, H, W = z.shape
    N = B * H * W
    J = emb_weight.shape[0]
    z3 = z.reshape(B, C, H * W)

    nb = _P // (H * W)
    idx = pl.pallas_call(
        _argmin_body,
        grid=(N // _P,),
        in_specs=[
            pl.BlockSpec((nb, C, H * W), lambda b: (b, 0, 0)),
            pl.BlockSpec((J, C), lambda b: (0, 0)),
            pl.BlockSpec((J, 1), lambda b: (0, 0)),
        ],
        out_specs=pl.BlockSpec((1, 1, _P), lambda b: (b, 0, 0)),
        out_shape=jax.ShapeDtypeStruct((N // _P, 1, _P), jnp.int32),
    )(z3, emb_weight,
      jnp.arange(J, dtype=jnp.float32).reshape(J, 1))

    embt = emb_weight.T
    idx2 = idx.reshape(B, H * W)

    gather = pl.kernel(
        _gather_body,
        out_type=jax.ShapeDtypeStruct((B, C, H * W), jnp.float32),
        mesh=plsc.VectorSubcoreMesh(
            core_axis_name="c", subcore_axis_name="s"),
        compiler_params=pltpu.CompilerParams(needs_layout_passes=False),
        scratch_types=[
            pltpu.VMEM((J,), jnp.float32),
            pltpu.VMEM((B, H * W), jnp.int32),
            pltpu.VMEM((B, H * W), jnp.float32),
            pltpu.SemaphoreType.DMA,
            pltpu.SemaphoreType.DMA,
        ],
    )
    z_q = gather(embt, idx2).reshape(B, C, H, W)
    min_idx = idx.reshape(B, H, W)
    return (z_q, min_idx)

# --- scband reference (transcript-rebuilt; emitter-appended) ---
"""Pipeline reference for scband-vector-quantizer-18872086298730 (READ-ONLY COPY).

The authoritative reference and input builder live on the scoring server;
editing this copy changes nothing except your own understanding.
"""

import jax, jax.numpy as jnp
import numpy as np

NUM_EMBEDDINGS = 1024
EMBEDDING_DIM = 32


def setup_inputs(seed: int = 0) -> dict:
    key = jax.random.key(seed)
    k1, k2 = jax.random.split(key)
    z = jax.random.normal(k1, (16, 32, 32, 32), dtype=jnp.float32)
    emb_weight = jax.random.uniform(
        k2, (NUM_EMBEDDINGS, EMBEDDING_DIM), dtype=jnp.float32,
        minval=-1.0 / NUM_EMBEDDINGS, maxval=1.0 / NUM_EMBEDDINGS)
    return {"z": z, "emb_weight": emb_weight}


def reference(z, emb_weight):
    orig_shape = z.shape  # (B, C, H, W)
    zp = jnp.transpose(z, (0, 2, 3, 1))  # (B, H, W, C)
    z_flattened = zp.reshape(-1, zp.shape[-1])
    d = (jnp.sum(z_flattened ** 2, axis=1, keepdims=True)
         + jnp.sum(emb_weight ** 2, axis=1)
         - 2.0 * jnp.matmul(z_flattened, emb_weight.T))
    min_encoding_indices = jnp.argmin(d, axis=1)
    z_q = jnp.take(emb_weight, min_encoding_indices, axis=0).reshape(zp.shape)
    z_q = jnp.transpose(z_q, (0, 3, 1, 2))  # (B, C, H, W)
    z_perm = jnp.transpose(zp, (0, 3, 1, 2))  # back to (B, C, H, W)
    z_q = z_perm + jax.lax.stop_gradient(z_q - z_perm)
    min_encoding_indices = min_encoding_indices.reshape(
        orig_shape[0], orig_shape[2], orig_shape[3])
    return (z_q, min_encoding_indices)

if __name__ == "__main__":
    import jax
    _d = setup_inputs()
    print(jax.jit(kernel)(*tuple(_d.values())))

</pallas_src>

<mosaic_0001>
#map = affine_map<(d0, d1) -> (0, 0)>
#map1 = affine_map<(d0, d1) -> (0, 0, 0)>
module attributes {stable_mosaic.version = 14 : i64} {
  func.func @_gather_body(%arg0: i32, %arg1: i32, %arg2: memref<32x1024xf32, #tpu.memory_space<hbm>>, %arg3: memref<16x1024xi32, #tpu.memory_space<hbm>>, %arg4: memref<16x32x1024xf32, #tpu.memory_space<hbm>>, %arg5: memref<1024xf32, #tpu.memory_space<vmem>>, %arg6: memref<16x1024xi32, #tpu.memory_space<vmem>>, %arg7: memref<16x1024xf32, #tpu.memory_space<vmem>>, %arg8: memref<!tpu.dma_semaphore, #tpu.memory_space<semaphore_mem>>, %arg9: memref<!tpu.dma_semaphore, #tpu.memory_space<semaphore_mem>>) attributes {dimension_semantics = [#tpu.dimension_semantics<core_parallel>, #tpu.dimension_semantics<subcore_parallel>], iteration_bounds = array<i64: 2, 16>, scalar_prefetch = 0 : i64, scratch_operands = 5 : i64, tpu.core_type = #tpu.core_type<sc_vector_subcore>, window_params = [{transform_indices = #map}, {transform_indices = #map}, {transform_indices = #map1}]} {
    %mul3A = arith.constant 2 : i32
    %mul3A_0 = arith.muli %arg1, %mul3A : i32
    %add3A = arith.addi %mul3A_0, %arg0 : i32
    %dma_start3A = arith.constant 0 : i32
    %dma_start3A_1 = tpu.memref_slice %arg2[%add3A, %dma_start3A] : memref<32x1024xf32, #tpu.memory_space<hbm>> -> memref<1x1024xf32, #tpu.memory_space<hbm>>
    %dma_start3A_2 = tpu.memref_squeeze %dma_start3A_1 : memref<1x1024xf32, #tpu.memory_space<hbm>> -> memref<1024xf32, #tpu.memory_space<hbm>>
    %dma_start3A_3 = arith.constant 0 : i32
    %dma_start3A_4 = tpu.memref_slice %arg2[%add3A, %dma_start3A_3] : memref<32x1024xf32, #tpu.memory_space<hbm>> -> memref<1x1024xf32, #tpu.memory_space<hbm>>
    %dma_start3A_5 = tpu.memref_squeeze %dma_start3A_4 : memref<1x1024xf32, #tpu.memory_space<hbm>> -> memref<1024xf32, #tpu.memory_space<hbm>>
    tpu.enqueue_dma source(%dma_start3A_5 : memref<1024xf32, #tpu.memory_space<hbm>>) target(%arg5 : memref<1024xf32, #tpu.memory_space<vmem>>) target_semaphore(%arg8 : memref<!tpu.dma_semaphore, #tpu.memory_space<semaphore_mem>>)
    tpu.enqueue_dma source(%arg3 : memref<16x1024xi32, #tpu.memory_space<hbm>>) target(%arg6 : memref<16x1024xi32, #tpu.memory_space<vmem>>) target_semaphore(%arg8 : memref<!tpu.dma_semaphore, #tpu.memory_space<semaphore_mem>>)
    %dma_wait3A = arith.constant 0 : i32
    %dma_wait3A_6 = tpu.memref_slice %arg2[%add3A, %dma_wait3A] : memref<32x1024xf32, #tpu.memory_space<hbm>> -> memref<1x1024xf32, #tpu.memory_space<hbm>>
    %dma_wait3A_7 = tpu.memref_squeeze %dma_wait3A_6 : memref<1x1024xf32, #tpu.memory_space<hbm>> -> memref<1024xf32, #tpu.memory_space<hbm>>
    %dma_wait3A_8 = arith.constant 0 : i32
    %dma_wait3A_9 = tpu.memref_slice %arg2[%add3A, %dma_wait3A_8] : memref<32x1024xf32, #tpu.memory_space<hbm>> -> memref<1x1024xf32, #tpu.memory_space<hbm>>
    %dma_wait3A_10 = tpu.memref_squeeze %dma_wait3A_9 : memref<1x1024xf32, #tpu.memory_space<hbm>> -> memref<1024xf32, #tpu.memory_space<hbm>>
    tpu.wait_dma2 semaphore(%arg8 : memref<!tpu.dma_semaphore, #tpu.memory_space<semaphore_mem>>) src(%dma_wait3A_10 : memref<1024xf32, #tpu.memory_space<hbm>>) dst(%arg5 : memref<1024xf32, #tpu.memory_space<vmem>>)
    tpu.wait_dma2 semaphore(%arg8 : memref<!tpu.dma_semaphore, #tpu.memory_space<semaphore_mem>>) src(%arg3 : memref<16x1024xi32, #tpu.memory_space<hbm>>) dst(%arg6 : memref<16x1024xi32, #tpu.memory_space<vmem>>)
    %scan3A = arith.constant 0 : i32
    %scan3A_11 = arith.constant 0 : i32
    %scan3A_12 = arith.constant 16 : i32
    %scan3A_13 = arith.addi %scan3A_11, %scan3A_12 : i32
    %scan3A_14 = arith.constant 1 : i32
    scf.for %scan3A_32 = %scan3A_11 to %scan3A_13 step %scan3A_14  : i32 {
      %get3A = arith.index_cast %scan3A_32 : i32 to index
      %get3A_33 = arith.constant 0 : index
      %get3A_34 = tpu.vector_load %arg6[%get3A, %get3A_33] {strides = array<i32>} : memref<16x1024xi32, #tpu.memory_space<vmem>>, vector<16xi32>,
      %get3A_35 = arith.index_cast %scan3A_32 : i32 to index
      %get3A_36 = arith.constant 16 : index
      %get3A_37 = tpu.vector_load %arg6[%get3A_35, %get3A_36] {strides = array<i32>} : memref<16x1024xi32, #tpu.memory_space<vmem>>, vector<16xi32>,
      %get3A_38 = arith.index_cast %scan3A_32 : i32 to index
      %get3A_39 = arith.constant 32 : index
      %get3A_40 = tpu.vector_load %arg6[%get3A_38, %get3A_39] {strides = array<i32>} : memref<16x1024xi32, #tpu.memory_space<vmem>>, vector<16xi32>,
      %get3A_41 = arith.index_cast %scan3A_32 : i32 to index
      %get3A_42 = arith.constant 48 : index
      %get3A_43 = tpu.vector_load %arg6[%get3A_41, %get3A_42] {strides = array<i32>} : memref<16x1024xi32, #tpu.memory_space<vmem>>, vector<16xi32>,
      %get3A_44 = arith.index_cast %scan3A_32 : i32 to index
      %get3A_45 = arith.constant 64 : index
      %get3A_46 = tpu.vector_load %arg6[%get3A_44, %get3A_45] {strides = array<i32>} : memref<16x1024xi32, #tpu.memory_space<vmem>>, vector<16xi32>,
      %get3A_47 = arith.index_cast %scan3A_32 : i32 to index
      %get3A_48 = arith.constant 80 : index
      %get3A_49 = tpu.vector_load %arg6[%get3A_47, %get3A_48] {strides = array<i32>} : memref<16x1024xi32, #tpu.memory_space<vmem>>, vector<16xi32>,
      %get3A_50 = arith.index_cast %scan3A_32 : i32 to index
      %get3A_51 = arith.constant 96 : index
      %get3A_52 = tpu.vector_load %arg6[%get3A_50, %get3A_51] {strides = array<i32>} : memref<16x1024xi32, #tpu.memory_space<vmem>>, vector<16xi32>,
      %get3A_53 = arith.index_cast %scan3A_32 : i32 to index
      %get3A_54 = arith.constant 112 : index
      %get3A_55 = tpu.vector_load %arg6[%get3A_53, %get3A_54] {strides = array<i32>} : memref<16x1024xi32, #tpu.memory_space<vmem>>, vector<16xi32>,
      %gather3A = tpu.vector_load_idx %arg5[%get3A_34] : memref<1024xf32, #tpu.memory_space<vmem>>[vector<16xi32>], vector<16xf32>,
      %gather3A_56 = tpu.vector_load_idx %arg5[%get3A_37] : memref<1024xf32, #tpu.memory_space<vmem>>[vector<16xi32>], vector<16xf32>,
      %gather3A_57 = tpu.vector_load_idx %arg5[%get3A_40] : memref<1024xf32, #tpu.memory_space<vmem>>[vector<16xi32>], vector<16xf32>,
      %gather3A_58 = tpu.vector_load_idx %arg5[%get3A_43] : memref<1024xf32, #tpu.memory_space<vmem>>[vector<16xi32>], vector<16xf32>,
      %gather3A_59 = tpu.vector_load_idx %arg5[%get3A_46] : memref<1024xf32, #tpu.memory_space<vmem>>[vector<16xi32>], vector<16xf32>,
      %gather3A_60 = tpu.vector_load_idx %arg5[%get3A_49] : memref<1024xf32, #tpu.memory_space<vmem>>[vector<16xi32>], vector<16xf32>,
      %gather3A_61 = tpu.vector_load_idx %arg5[%get3A_52] : memref<1024xf32, #tpu.memory_space<vmem>>[vector<16xi32>], vector<16xf32>,
      %gather3A_62 = tpu.vector_load_idx %arg5[%get3A_55] : memref<1024xf32, #tpu.memory_space<vmem>>[vector<16xi32>], vector<16xf32>,
      %swap3A = arith.index_cast %scan3A_32 : i32 to index
      %swap3A_63 = arith.constant 0 : index
      %swap3A_64 = tpu.vector_load %arg7[%swap3A, %swap3A_63] {strides = array<i32>} : memref<16x1024xf32, #tpu.memory_space<vmem>>, vector<16xf32>,
      tpu.vector_store %arg7[%swap3A, %swap3A_63], %gather3A {strides = array<i32>} : memref<16x1024xf32, #tpu.memory_space<vmem>>, vector<16xf32>,
      %swap3A_65 = arith.index_cast %scan3A_32 : i32 to index
      %swap3A_66 = arith.constant 16 : index
      %swap3A_67 = tpu.vector_load %arg7[%swap3A_65, %swap3A_66] {strides = array<i32>} : memref<16x1024xf32, #tpu.memory_space<vmem>>, vector<16xf32>,
      tpu.vector_store %arg7[%swap3A_65, %swap3A_66], %gather3A_56 {strides = array<i32>} : memref<16x1024xf32, #tpu.memory_space<vmem>>, vector<16xf32>,
      %swap3A_68 = arith.index_cast %scan3A_32 : i32 to index
      %swap3A_69 = arith.constant 32 : index
      %swap3A_70 = tpu.vector_load %arg7[%swap3A_68, %swap3A_69] {strides = array<i32>} : memref<16x1024xf32, #tpu.memory_space<vmem>>, vector<16xf32>,
      tpu.vector_store %arg7[%swap3A_68, %swap3A_69], %gather3A_57 {strides = array<i32>} : memref<16x1024xf32, #tpu.memory_space<vmem>>, vector<16xf32>,
      %swap3A_71 = arith.index_cast %scan3A_32 : i32 to index
      %swap3A_72 = arith.constant 48 : index
      %swap3A_73 = tpu.vector_load %arg7[%swap3A_71, %swap3A_72] {strides = array<i32>} : memref<16x1024xf32, #tpu.memory_space<vmem>>, vector<16xf32>,
      tpu.vector_store %arg7[%swap3A_71, %swap3A_72], %gather3A_58 {strides = array<i32>} : memref<16x1024xf32, #tpu.memory_space<vmem>>, vector<16xf32>,
      %swap3A_74 = arith.index_cast %scan3A_32 : i32 to index
      %swap3A_75 = arith.constant 64 : index
      %swap3A_76 = tpu.vector_load %arg7[%swap3A_74, %swap3A_75] {strides = array<i32>} : memref<16x1024xf32, #tpu.memory_space<vmem>>, vector<16xf32>,
      tpu.vector_store %arg7[%swap3A_74, %swap3A_75], %gather3A_59 {strides = array<i32>} : memref<16x1024xf32, #tpu.memory_space<vmem>>, vector<16xf32>,
      %swap3A_77 = arith.index_cast %scan3A_32 : i32 to index
      %swap3A_78 = arith.constant 80 : index
      %swap3A_79 = tpu.vector_load %arg7[%swap3A_77, %swap3A_78] {strides = array<i32>} : memref<16x1024xf32, #tpu.memory_space<vmem>>, vector<16xf32>,
      tpu.vector_store %arg7[%swap3A_77, %swap3A_78], %gather3A_60 {strides = array<i32>} : memref<16x1024xf32, #tpu.memory_space<vmem>>, vector<16xf32>,
      %swap3A_80 = arith.index_cast %scan3A_32 : i32 to index
      %swap3A_81 = arith.constant 96 : index
      %swap3A_82 = tpu.vector_load %arg7[%swap3A_80, %swap3A_81] {strides = array<i32>} : memref<16x1024xf32, #tpu.memory_space<vmem>>, vector<16xf32>,
      tpu.vector_store %arg7[%swap3A_80, %swap3A_81], %gather3A_61 {strides = array<i32>} : memref<16x1024xf32, #tpu.memory_space<vmem>>, vector<16xf32>,
      %swap3A_83 = arith.index_cast %scan3A_32 : i32 to index
      %swap3A_84 = arith.constant 112 : index
      %swap3A_85 = tpu.vector_load %arg7[%swap3A_83, %swap3A_84] {strides = array<i32>} : memref<16x1024xf32, #tpu.memory_space<vmem>>, vector<16xf32>,
      tpu.vector_store %arg7[%swap3A_83, %swap3A_84], %gather3A_62 {strides = array<i32>} : memref<16x1024xf32, #tpu.memory_space<vmem>>, vector<16xf32>,
      %get3A_86 = arith.index_cast %scan3A_32 : i32 to index
      %get3A_87 = arith.constant 128 : index
      %get3A_88 = tpu.vector_load %arg6[%get3A_86, %get3A_87] {strides = array<i32>} : memref<16x1024xi32, #tpu.memory_space<vmem>>, vector<16xi32>,
      %get3A_89 = arith.index_cast %scan3A_32 : i32 to index
      %get3A_90 = arith.constant 144 : index
      %get3A_91 = tpu.vector_load %arg6[%get3A_89, %get3A_90] {strides = array<i32>} : memref<16x1024xi32, #tpu.memory_space<vmem>>, vector<16xi32>,
      %get3A_92 = arith.index_cast %scan3A_32 : i32 to index
      %get3A_93 = arith.constant 160 : index
      %get3A_94 = tpu.vector_load %arg6[%get3A_92, %get3A_93] {strides = array<i32>} : memref<16x1024xi32, #tpu.memory_space<vmem>>, vector<16xi32>,
      %get3A_95 = arith.index_cast %scan3A_32 : i32 to index
      %get3A_96 = arith.constant 176 : index
      %get3A_97 = tpu.vector_load %arg6[%get3A_95, %get3A_96] {strides = array<i32>} : memref<16x1024xi32, #tpu.memory_space<vmem>>, vector<16xi32>,
      %get3A_98 = arith.index_cast %scan3A_32 : i32 to index
      %get3A_99 = arith.constant 192 : index
      %get3A_100 = tpu.vector_load %arg6[%get3A_98, %get3A_99] {strides = array<i32>} : memref<16x1024xi32, #tpu.memory_space<vmem>>, vector<16xi32>,
      %get3A_101 = arith.index_cast %scan3A_32 : i32 to index
      %get3A_102 = arith.constant 208 : index
      %get3A_103 = tpu.vector_load %arg6[%get3A_101, %get3A_102] {strides = array<i32>} : memref<16x1024xi32, #tpu.memory_space<vmem>>, vector<16xi32>,
      %get3A_104 = arith.index_cast %scan3A_32 : i32 to index
      %get3A_105 = arith.constant 224 : index
      %get3A_106 = tpu.vector_load %arg6[%get3A_104, %get3A_105] {strides = array<i32>} : memref<16x1024xi32, #tpu.memory_space<vmem>>, vector<16xi32>,
      %get3A_107 = arith.index_cast %scan3A_32 : i32 to index
      %get3A_108 = arith.constant 240 : index
      %get3A_109 = tpu.vector_load %arg6[%get3A_107, %get3A_108] {strides = array<i32>} : memref<16x1024xi32, #tpu.memory_space<vmem>>, vector<16xi32>,
      %gather3A_110 = tpu.vector_load_idx %arg5[%get3A_88] : memref<1024xf32, #tpu.memory_space<vmem>>[vector<16xi32>], vector<16xf32>,
      %gather3A_111 = tpu.vector_load_idx %arg5[%get3A_91] : memref<1024xf32, #tpu.memory_space<vmem>>[vector<16xi32>], vector<16xf32>,
      %gather3A_112 = tpu.vector_load_idx %arg5[%get3A_94] : memref<1024xf32, #tpu.memory_space<vmem>>[vector<16xi32>], vector<16xf32>,
      %gather3A_113 = tpu.vector_load_idx %arg5[%get3A_97] : memref<1024xf32, #tpu.memory_space<vmem>>[vector<16xi32>], vector<16xf32>,
      %gather3A_114 = tpu.vector_load_idx %arg5[%get3A_100] : memref<1024xf32, #tpu.memory_space<vmem>>[vector<16xi32>], vector<16xf32>,
      %gather3A_115 = tpu.vector_load_idx %arg5[%get3A_103] : memref<1024xf32, #tpu.memory_space<vmem>>[vector<16xi32>], vector<16xf32>,
      %gather3A_116 = tpu.vector_load_idx %arg5[%get3A_106] : memref<1024xf32, #tpu.memory_space<vmem>>[vector<16xi32>], vector<16xf32>,
      %gather3A_117 = tpu.vector_load_idx %arg5[%get3A_109] : memref<1024xf32, #tpu.memory_space<vmem>>[vector<16xi32>], vector<16xf32>,
      %swap3A_118 = arith.index_cast %scan3A_32 : i32 to index
      %swap3A_119 = arith.constant 128 : index
      %swap3A_120 = tpu.vector_load %arg7[%swap3A_118, %swap3A_119] {strides = array<i32>} : memref<16x1024xf32, #tpu.memory_space<vmem>>, vector<16xf32>,
      tpu.vector_store %arg7[%swap3A_118, %swap3A_119], %gather3A_110 {strides = array<i32>} : memref<16x1024xf32, #tpu.memory_space<vmem>>, vector<16xf32>,
      %swap3A_121 = arith.index_cast %scan3A_32 : i32 to index
      %swap3A_122 = arith.constant 144 : index
      %swap3A_123 = tpu.vector_load %arg7[%swap3A_121, %swap3A_122] {strides = array<i32>} : memref<16x1024xf32, #tpu.memory_space<vmem>>, vector<16xf32>,
      tpu.vector_store %arg7[%swap3A_121, %swap3A_122], %gather3A_111 {strides = array<i32>} : memref<16x1024xf32, #tpu.memory_space<vmem>>, vector<16xf32>,
      %swap3A_124 = arith.index_cast %scan3A_32 : i32 to index
      %swap3A_125 = arith.constant 160 : index
      %swap3A_126 = tpu.vector_load %arg7[%swap3A_124, %swap3A_125] {strides = array<i32>} : memref<16x1024xf32, #tpu.memory_space<vmem>>, vector<16xf32>,
      tpu.vector_store %arg7[%swap3A_124, %swap3A_125], %gather3A_112 {strides = array<i32>} : memref<16x1024xf32, #tpu.memory_space<vmem>>, vector<16xf32>,
      %swap3A_127 = arith.index_cast %scan3A_32 : i32 to index
      %swap3A_128 = arith.constant 176 : index
      %swap3A_129 = tpu.vector_load %arg7[%swap3A_127, %swap3A_128] {strides = array<i32>} : memref<16x1024xf32, #tpu.memory_space<vmem>>, vector<16xf32>,
      tpu.vector_store %arg7[%swap3A_127, %swap3A_128], %gather3A_113 {strides = array<i32>} : memref<16x1024xf32, #tpu.memory_space<vmem>>, vector<16xf32>,
      %swap3A_130 = arith.index_cast %scan3A_32 : i32 to index
      %swap3A_131 = arith.constant 192 : index
      %swap3A_132 = tpu.vector_load %arg7[%swap3A_130, %swap3A_131] {strides = array<i32>} : memref<16x1024xf32, #tpu.memory_space<vmem>>, vector<16xf32>,
      tpu.vector_store %arg7[%swap3A_130, %swap3A_131], %gather3A_114 {strides = array<i32>} : memref<16x1024xf32, #tpu.memory_space<vmem>>, vector<16xf32>,
      %swap3A_133 = arith.index_cast %scan3A_32 : i32 to index
      %swap3A_134 = arith.constant 208 : index
      %swap3A_135 = tpu.vector_load %arg7[%swap3A_133, %swap3A_134] {strides = array<i32>} : memref<16x1024xf32, #tpu.memory_space<vmem>>, vector<16xf32>,
      tpu.vector_store %arg7[%swap3A_133, %swap3A_134], %gather3A_115 {strides = array<i32>} : memref<16x1024xf32, #tpu.memory_space<vmem>>, vector<16xf32>,
      %swap3A_136 = arith.index_cast %scan3A_32 : i32 to index
      %swap3A_137 = arith.constant 224 : index
      %swap3A_138 = tpu.vector_load %arg7[%swap3A_136, %swap3A_137] {strides = array<i32>} : memref<16x1024xf32, #tpu.memory_space<vmem>>, vector<16xf32>,
      tpu.vector_store %arg7[%swap3A_136, %swap3A_137], %gather3A_116 {strides = array<i32>} : memref<16x1024xf32, #tpu.memory_space<vmem>>, vector<16xf32>,
      %swap3A_139 = arith.index_cast %scan3A_32 : i32 to index
      %swap3A_140 = arith.constant 240 : index
      %swap3A_141 = tpu.vector_load %arg7[%swap3A_139, %swap3A_140] {strides = array<i32>} : memref<16x1024xf32, #tpu.memory_space<vmem>>, vector<16xf32>,
      tpu.vector_store %arg7[%swap3A_139, %swap3A_140], %gather3A_117 {strides = array<i32>} : memref<16x1024xf32, #tpu.memory_space<vmem>>, vector<16xf32>,
      %get3A_142 = arith.index_cast %scan3A_32 : i32 to index
      %get3A_143 = arith.constant 256 : index
      %get3A_144 = tpu.vector_load %arg6[%get3A_142, %get3A_143] {strides = array<i32>} : memref<16x1024xi32, #tpu.memory_space<vmem>>, vector<16xi32>,
      %get3A_145 = arith.index_cast %scan3A_32 : i32 to index
      %get3A_146 = arith.constant 272 : index
      %get3A_147 = tpu.vector_load %arg6[%get3A_145, %get3A_146] {strides = array<i32>} : memref<16x1024xi32, #tpu.memory_space<vmem>>, vector<16xi32>,
      %get3A_148 = arith.index_cast %scan3A_32 : i32 to index
      %get3A_149 = arith.constant 288 : index
      %get3A_150 = tpu.vector_load %arg6[%get3A_148, %get3A_149] {strides = array<i32>} : memref<16x1024xi32, #tpu.memory_space<vmem>>, vector<16xi32>,
      %get3A_151 = arith.index_cast %scan3A_32 : i32 to index
      %get3A_152 = arith.constant 304 : index
      %get3A_153 = tpu.vector_load %arg6[%get3A_151, %get3A_152] {strides = array<i32>} : memref<16x1024xi32, #tpu.memory_space<vmem>>, vector<16xi32>,
      %get3A_154 = arith.index_cast %scan3A_32 : i32 to index
      %get3A_155 = arith.constant 320 : index
      %get3A_156 = tpu.vector_load %arg6[%get3A_154, %get3A_155] {strides = array<i32>} : memref<16x1024xi32, #tpu.memory_space<vmem>>, vector<16xi32>,
      %get3A_157 = arith.index_cast %scan3A_32 : i32 to index
      %get3A_158 = arith.constant 336 : index
      %get3A_159 = tpu.vector_load %arg6[%get3A_157, %get3A_158] {strides = array<i32>} : memref<16x1024xi32, #tpu.memory_space<vmem>>, vector<16xi32>,
      %get3A_160 = arith.index_cast %scan3A_32 : i32 to index
      %get3A_161 = arith.constant 352 : index
      %get3A_162 = tpu.vector_load %arg6[%get3A_160, %get3A_161] {strides = array<i32>} : memref<16x1024xi32, #tpu.memory_space<vmem>>, vector<16xi32>,
      %get3A_163 = arith.index_cast %scan3A_32 : i32 to index
      %get3A_164 = arith.constant 368 : index
      %get3A_165 = tpu.vector_load %arg6[%get3A_163, %get3A_164] {strides = array<i32>} : memref<16x1024xi32, #tpu.memory_space<vmem>>, vector<16xi32>,
      %gather3A_166 = tpu.vector_load_idx %arg5[%get3A_144] : memref<1024xf32, #tpu.memory_space<vmem>>[vector<16xi32>], vector<16xf32>,
      %gather3A_167 = tpu.vector_load_idx %arg5[%get3A_147] : memref<1024xf32, #tpu.memory_space<vmem>>[vector<16xi32>], vector<16xf32>,
      %gather3A_168 = tpu.vector_load_idx %arg5[%get3A_150] : memref<1024xf32, #tpu.memory_space<vmem>>[vector<16xi32>], vector<16xf32>,
      %gather3A_169 = tpu.vector_load_idx %arg5[%get3A_153] : memref<1024xf32, #tpu.memory_space<vmem>>[vector<16xi32>], vector<16xf32>,
      %gather3A_170 = tpu.vector_load_idx %arg5[%get3A_156] : memref<1024xf32, #tpu.memory_space<vmem>>[vector<16xi32>], vector<16xf32>,
      %gather3A_171 = tpu.vector_load_idx %arg5[%get3A_159] : memref<1024xf32, #tpu.memory_space<vmem>>[vector<16xi32>], vector<16xf32>,
      %gather3A_172 = tpu.vector_load_idx %arg5[%get3A_162] : memref<1024xf32, #tpu.memory_space<vmem>>[vector<16xi32>], vector<16xf32>,
      %gather3A_173 = tpu.vector_load_idx %arg5[%get3A_165] : memref<1024xf32, #tpu.memory_space<vmem>>[vector<16xi32>], vector<16xf32>,
      %swap3A_174 = arith.index_cast %scan3A_32 : i32 to index
      %swap3A_175 = arith.constant 256 : index
      %swap3A_176 = tpu.vector_load %arg7[%swap3A_174, %swap3A_175] {strides = array<i32>} : memref<16x1024xf32, #tpu.memory_space<vmem>>, vector<16xf32>,
      tpu.vector_store %arg7[%swap3A_174, %swap3A_175], %gather3A_166 {strides = array<i32>} : memref<16x1024xf32, #tpu.memory_space<vmem>>, vector<16xf32>,
      %swap3A_177 = arith.index_cast %scan3A_32 : i32 to index
      %swap3A_178 = arith.constant 272 : index
      %swap3A_179 = tpu.vector_load %arg7[%swap3A_177, %swap3A_178] {strides = array<i32>} : memref<16x1024xf32, #tpu.memory_space<vmem>>, vector<16xf32>,
      tpu.vector_store %arg7[%swap3A_177, %swap3A_178], %gather3A_167 {strides = array<i32>} : memref<16x1024xf32, #tpu.memory_space<vmem>>, vector<16xf32>,
      %swap3A_180 = arith.index_cast %scan3A_32 : i32 to index
      %swap3A_181 = arith.constant 288 : index
      %swap3A_182 = tpu.vector_load %arg7[%swap3A_180, %swap3A_181] {strides = array<i32>} : memref<16x1024xf32, #tpu.memory_space<vmem>>, vector<16xf32>,
      tpu.vector_store %arg7[%swap3A_180, %swap3A_181], %gather3A_168 {strides = array<i32>} : memref<16x1024xf32, #tpu.memory_space<vmem>>, vector<16xf32>,
      %swap3A_183 = arith.index_cast %scan3A_32 : i32 to index
      %swap3A_184 = arith.constant 304 : index
      %swap3A_185 = tpu.vector_load %arg7[%swap3A_183, %swap3A_184] {strides = array<i32>} : memref<16x1024xf32, #tpu.memory_space<vmem>>, vector<16xf32>,
      tpu.vector_store %arg7[%swap3A_183, %swap3A_184], %gather3A_169 {strides = array<i32>} : memref<16x1024xf32, #tpu.memory_space<vmem>>, vector<16xf32>,
      %swap3A_186 = arith.index_cast %scan3A_32 : i32 to index
      %swap3A_187 = arith.constant 320 : index
      %swap3A_188 = tpu.vector_load %arg7[%swap3A_186, %swap3A_187] {strides = array<i32>} : memref<16x1024xf32, #tpu.memory_space<vmem>>, vector<16xf32>,
      tpu.vector_store %arg7[%swap3A_186, %swap3A_187], %gather3A_170 {strides = array<i32>} : memref<16x1024xf32, #tpu.memory_space<vmem>>, vector<16xf32>,
      %swap3A_189 = arith.index_cast %scan3A_32 : i32 to index
      %swap3A_190 = arith.constant 336 : index
      %swap3A_191 = tpu.vector_load %arg7[%swap3A_189, %swap3A_190] {strides = array<i32>} : memref<16x1024xf32, #tpu.memory_space<vmem>>, vector<16xf32>,
      tpu.vector_store %arg7[%swap3A_189, %swap3A_190], %gather3A_171 {strides = array<i32>} : memref<16x1024xf32, #tpu.memory_space<vmem>>, vector<16xf32>,
      %swap3A_192 = arith.index_cast %scan3A_32 : i32 to index
      %swap3A_193 = arith.constant 352 : index
      %swap3A_194 = tpu.vector_load %arg7[%swap3A_192, %swap3A_193] {strides = array<i32>} : memref<16x1024xf32, #tpu.memory_space<vmem>>, vector<16xf32>,
      tpu.vector_store %arg7[%swap3A_192, %swap3A_193], %gather3A_172 {strides = array<i32>} : memref<16x1024xf32, #tpu.memory_space<vmem>>, vector<16xf32>,
      %swap3A_195 = arith.index_cast %scan3A_32 : i32 to index
      %swap3A_196 = arith.constant 368 : index
      %swap3A_197 = tpu.vector_load %arg7[%swap3A_195, %swap3A_196] {strides = array<i32>} : memref<16x1024xf32, #tpu.memory_space<vmem>>, vector<16xf32>,
      tpu.vector_store %arg7[%swap3A_195, %swap3A_196], %gather3A_173 {strides = array<i32>} : memref<16x1024xf32, #tpu.memory_space<vmem>>, vector<16xf32>,
      %get3A_198 = arith.index_cast %scan3A_32 : i32 to index
      %get3A_199 = arith.constant 384 : index
      %get3A_200 = tpu.vector_load %arg6[%get3A_198, %get3A_199] {strides = array<i32>} : memref<16x1024xi32, #tpu.memory_space<vmem>>, vector<16xi32>,
      %get3A_201 = arith.index_cast %scan3A_32 : i32 to index
      %get3A_202 = arith.constant 400 : index
      %get3A_203 = tpu.vector_load %arg6[%get3A_201, %get3A_202] {strides = array<i32>} : memref<16x1024xi32, #tpu.memory_space<vmem>>, vector<16xi32>,
      %get3A_204 = arith.index_cast %scan3A_32 : i32 to index
      %get3A_205 = arith.constant 416 : index
      %get3A_206 = tpu.vector_load %arg6[%get3A_204, %get3A_205] {strides = array<i32>} : memref<16x1024xi32, #tpu.memory_space<vmem>>, vector<16xi32>,
      %get3A_207 = arith.index_cast %scan3A_32 : i32 to index
      %get3A_208 = arith.constant 432 : index
      %get3A_209 = tpu.vector_load %arg6[%get3A_207, %get3A_208] {strides = array<i32>} : memref<16x1024xi32, #tpu.memory_space<vmem>>, vector<16xi32>,
      %get3A_210 = arith.index_cast %scan3A_32 : i32 to index
      %get3A_211 = arith.constant 448 : index
      %get3A_212 = tpu.vector_load %arg6[%get3A_210, %get3A_211] {strides = array<i32>} : memref<16x1024xi32, #tpu.memory_space<vmem>>, vector<16xi32>,
      %get3A_213 = arith.index_cast %scan3A_32 : i32 to index
      %get3A_214 = arith.constant 464 : index
      %get3A_215 = tpu.vector_load %arg6[%get3A_213, %get3A_214] {strides = array<i32>} : memref<16x1024xi32, #tpu.memory_space<vmem>>, vector<16xi32>,
      %get3A_216 = arith.index_cast %scan3A_32 : i32 to index
      %get3A_217 = arith.constant 480 : index
      %get3A_218 = tpu.vector_load %arg6[%get3A_216, %get3A_217] {strides = array<i32>} : memref<16x1024xi32, #tpu.memory_space<vmem>>, vector<16xi32>,
      %get3A_219 = arith.index_cast %scan3A_32 : i32 to index
      %get3A_220 = arith.constant 496 : index
      %get3A_221 = tpu.vector_load %arg6[%get3A_219, %get3A_220] {strides = array<i32>} : memref<16x1024xi32, #tpu.memory_space<vmem>>, vector<16xi32>,
      %gather3A_222 = tpu.vector_load_idx %arg5[%get3A_200] : memref<1024xf32, #tpu.memory_space<vmem>>[vector<16xi32>], vector<16xf32>,
      %gather3A_223 = tpu.vector_load_idx %arg5[%get3A_203] : memref<1024xf32, #tpu.memory_space<vmem>>[vector<16xi32>], vector<16xf32>,
      %gather3A_224 = tpu.vector_load_idx %arg5[%get3A_206] : memref<1024xf32, #tpu.memory_space<vmem>>[vector<16xi32>], vector<16xf32>,
      %gather3A_225 = tpu.vector_load_idx %arg5[%get3A_209] : memref<1024xf32, #tpu.memory_space<vmem>>[vector<16xi32>], vector<16xf32>,
      %gather3A_226 = tpu.vector_load_idx %arg5[%get3A_212] : memref<1024xf32, #tpu.memory_space<vmem>>[vector<16xi32>], vector<16xf32>,
      %gather3A_227 = tpu.vector_load_idx %arg5[%get3A_215] : memref<1024xf32, #tpu.memory_space<vmem>>[vector<16xi32>], vector<16xf32>,
      %gather3A_228 = tpu.vector_load_idx %arg5[%get3A_218] : memref<1024xf32, #tpu.memory_space<vmem>>[vector<16xi32>], vector<16xf32>,
      %gather3A_229 = tpu.vector_load_idx %arg5[%get3A_221] : memref<1024xf32, #tpu.memory_space<vmem>>[vector<16xi32>], vector<16xf32>,
      %swap3A_230 = arith.index_cast %scan3A_32 : i32 to index
      %swap3A_231 = arith.constant 384 : index
      %swap3A_232 = tpu.vector_load %arg7[%swap3A_230, %swap3A_231] {strides = array<i32>} : memref<16x1024xf32, #tpu.memory_space<vmem>>, vector<16xf32>,
      tpu.vector_store %arg7[%swap3A_230, %swap3A_231], %gather3A_222 {strides = array<i32>} : memref<16x1024xf32, #tpu.memory_space<vmem>>, vector<16xf32>,
      %swap3A_233 = arith.index_cast %scan3A_32 : i32 to index
      %swap3A_234 = arith.constant 400 : index
      %swap3A_235 = tpu.vector_load %arg7[%swap3A_233, %swap3A_234] {strides = array<i32>} : memref<16x1024xf32, #tpu.memory_space<vmem>>, vector<16xf32>,
      tpu.vector_store %arg7[%swap3A_233, %swap3A_234], %gather3A_223 {strides = array<i32>} : memref<16x1024xf32, #tpu.memory_space<vmem>>, vector<16xf32>,
      %swap3A_236 = arith.index_cast %scan3A_32 : i32 to index
      %swap3A_237 = arith.constant 416 : index
      %swap3A_238 = tpu.vector_load %arg7[%swap3A_236, %swap3A_237] {strides = array<i32>} : memref<16x1024xf32, #tpu.memory_space<vmem>>, vector<16xf32>,
      tpu.vector_store %arg7[%swap3A_236, %swap3A_237], %gather3A_224 {strides = array<i32>} : memref<16x1024xf32, #tpu.memory_space<vmem>>, vector<16xf32>,
      %swap3A_239 = arith.index_cast %scan3A_32 : i32 to index
      %swap3A_240 = arith.constant 432 : index
      %swap3A_241 = tpu.vector_load %arg7[%swap3A_239, %swap3A_240] {strides = array<i32>} : memref<16x1024xf32, #tpu.memory_space<vmem>>, vector<16xf32>,
      tpu.vector_store %arg7[%swap3A_239, %swap3A_240], %gather3A_225 {strides = array<i32>} : memref<16x1024xf32, #tpu.memory_space<vmem>>, vector<16xf32>,
      %swap3A_242 = arith.index_cast %scan3A_32 : i32 to index
      %swap3A_243 = arith.constant 448 : index
      %swap3A_244 = tpu.vector_load %arg7[%swap3A_242, %swap3A_243] {strides = array<i32>} : memref<16x1024xf32, #tpu.memory_space<vmem>>, vector<16xf32>,
      tpu.vector_store %arg7[%swap3A_242, %swap3A_243], %gather3A_226 {strides = array<i32>} : memref<16x1024xf32, #tpu.memory_space<vmem>>, vector<16xf32>,
      %swap3A_245 = arith.index_cast %scan3A_32 : i32 to index
      %swap3A_246 = arith.constant 464 : index
      %swap3A_247 = tpu.vector_load %arg7[%swap3A_245, %swap3A_246] {strides = array<i32>} : memref<16x1024xf32, #tpu.memory_space<vmem>>, vector<16xf32>,
      tpu.vector_store %arg7[%swap3A_245, %swap3A_246], %gather3A_227 {strides = array<i32>} : memref<16x1024xf32, #tpu.memory_space<vmem>>, vector<16xf32>,
      %swap3A_248 = arith.index_cast %scan3A_32 : i32 to index
      %swap3A_249 = arith.constant 480 : index
      %swap3A_250 = tpu.vector_load %arg7[%swap3A_248, %swap3A_249] {strides = array<i32>} : memref<16x1024xf32, #tpu.memory_space<vmem>>, vector<16xf32>,
      tpu.vector_store %arg7[%swap3A_248, %swap3A_249], %gather3A_228 {strides = array<i32>} : memref<16x1024xf32, #tpu.memory_space<vmem>>, vector<16xf32>,
      %swap3A_251 = arith.index_cast %scan3A_32 : i32 to index
      %swap3A_252 = arith.constant 496 : index
      %swap3A_253 = tpu.vector_load %arg7[%swap3A_251, %swap3A_252] {strides = array<i32>} : memref<16x1024xf32, #tpu.memory_space<vmem>>, vector<16xf32>,
      tpu.vector_store %arg7[%swap3A_251, %swap3A_252], %gather3A_229 {strides = array<i32>} : memref<16x1024xf32, #tpu.memory_space<vmem>>, vector<16xf32>,
      %get3A_254 = arith.index_cast %scan3A_32 : i32 to index
      %get3A_255 = arith.constant 512 : index
      %get3A_256 = tpu.vector_load %arg6[%get3A_254, %get3A_255] {strides = array<i32>} : memref<16x1024xi32, #tpu.memory_space<vmem>>, vector<16xi32>,
      %get3A_257 = arith.index_cast %scan3A_32 : i32 to index
      %get3A_258 = arith.constant 528 : index
      %get3A_259 = tpu.vector_load %arg6[%get3A_257, %get3A_258] {strides = array<i32>} : memref<16x1024xi32, #tpu.memory_space<vmem>>, vector<16xi32>,
      %get3A_260 = arith.index_cast %scan3A_32 : i32 to index
      %get3A_261 = arith.constant 544 : index
      %get3A_262 = tpu.vector_load %arg6[%get3A_260, %get3A_261] {strides = array<i32>} : memref<16x1024xi32, #tpu.memory_space<vmem>>, vector<16xi32>,
      %get3A_263 = arith.index_cast %scan3A_32 : i32 to index
      %get3A_264 = arith.constant 560 : index
      %get3A_265 = tpu.vector_load %arg6[%get3A_263, %get3A_264] {strides = array<i32>} : memref<16x1024xi32, #tpu.memory_space<vmem>>, vector<16xi32>,
      %get3A_266 = arith.index_cast %scan3A_32 : i32 to index
      %get3A_267 = arith.constant 576 : index
      %get3A_268 = tpu.vector_load %arg6[%get3A_266, %get3A_267] {strides = array<i32>} : memref<16x1024xi32, #tpu.memory_space<vmem>>, vector<16xi32>,
      %get3A_269 = arith.index_cast %scan3A_32 : i32 to index
      %get3A_270 = arith.constant 592 : index
      %get3A_271 = tpu.vector_load %arg6[%get3A_269, %get3A_270] {strides = array<i32>} : memref<16x1024xi32, #tpu.memory_space<vmem>>, vector<16xi32>,
      %get3A_272 = arith.index_cast %scan3A_32 : i32 to index
      %get3A_273 = arith.constant 608 : index
      %get3A_274 = tpu.vector_load %arg6[%get3A_272, %get3A_273] {strides = array<i32>} : memref<16x1024xi32, #tpu.memory_space<vmem>>, vector<16xi32>,
      %get3A_275 = arith.index_cast %scan3A_32 : i32 to index
      %get3A_276 = arith.constant 624 : index
      %get3A_277 = tpu.vector_load %arg6[%get3A_275, %get3A_276] {strides = array<i32>} : memref<16x1024xi32, #tpu.memory_space<vmem>>, vector<16xi32>,
      %gather3A_278 = tpu.vector_load_idx %arg5[%get3A_256] : memref<1024xf32, #tpu.memory_space<vmem>>[vector<16xi32>], vector<16xf32>,
      %gather3A_279 = tpu.vector_load_idx %arg5[%get3A_259] : memref<1024xf32, #tpu.memory_space<vmem>>[vector<16xi32>], vector<16xf32>,
      %gather3A_280 = tpu.vector_load_idx %arg5[%get3A_262] : memref<1024xf32, #tpu.memory_space<vmem>>[vector<16xi32>], vector<16xf32>,
      %gather3A_281 = tpu.vector_load_idx %arg5[%get3A_265] : memref<1024xf32, #tpu.memory_space<vmem>>[vector<16xi32>], vector<16xf32>,
      %gather3A_282 = tpu.vector_load_idx %arg5[%get3A_268] : memref<1024xf32, #tpu.memory_space<vmem>>[vector<16xi32>], vector<16xf32>,
      %gather3A_283 = tpu.vector_load_idx %arg5[%get3A_271] : memref<1024xf32, #tpu.memory_space<vmem>>[vector<16xi32>], vector<16xf32>,
      %gather3A_284 = tpu.vector_load_idx %arg5[%get3A_274] : memref<1024xf32, #tpu.memory_space<vmem>>[vector<16xi32>], vector<16xf32>,
      %gather3A_285 = tpu.vector_load_idx %arg5[%get3A_277] : memref<1024xf32, #tpu.memory_space<vmem>>[vector<16xi32>], vector<16xf32>,
      %swap3A_286 = arith.index_cast %scan3A_32 : i32 to index
      %swap3A_287 = arith.constant 512 : index
      %swap3A_288 = tpu.vector_load %arg7[%swap3A_286, %swap3A_287] {strides = array<i32>} : memref<16x1024xf32, #tpu.memory_space<vmem>>, vector<16xf32>,
      tpu.vector_store %arg7[%swap3A_286, %swap3A_287], %gather3A_278 {strides = array<i32>} : memref<16x1024xf32, #tpu.memory_space<vmem>>, vector<16xf32>,
      %swap3A_289 = arith.index_cast %scan3A_32 : i32 to index
      %swap3A_290 = arith.constant 528 : index
      %swap3A_291 = tpu.vector_load %arg7[%swap3A_289, %swap3A_290] {strides = array<i32>} : memref<16x1024xf32, #tpu.memory_space<vmem>>, vector<16xf32>,
      tpu.vector_store %arg7[%swap3A_289, %swap3A_290], %gather3A_279 {strides = array<i32>} : memref<16x1024xf32, #tpu.memory_space<vmem>>, vector<16xf32>,
      %swap3A_292 = arith.index_cast %scan3A_32 : i32 to index
      %swap3A_293 = arith.constant 544 : index
      %swap3A_294 = tpu.vector_load %arg7[%swap3A_292, %swap3A_293] {strides = array<i32>} : memref<16x1024xf32, #tpu.memory_space<vmem>>, vector<16xf32>,
      tpu.vector_store %arg7[%swap3A_292, %swap3A_293], %gather3A_280 {strides = array<i32>} : memref<16x1024xf32, #tpu.memory_space<vmem>>, vector<16xf32>,
      %swap3A_295 = arith.index_cast %scan3A_32 : i32 to index
      %swap3A_296 = arith.constant 560 : index
      %swap3A_297 = tpu.vector_load %arg7[%swap3A_295, %swap3A_296] {strides = array<i32>} : memref<16x1024xf32, #tpu.memory_space<vmem>>, vector<16xf32>,
      tpu.vector_store %arg7[%swap3A_295, %swap3A_296], %gather3A_281 {strides = array<i32>} : memref<16x1024xf32, #tpu.memory_space<vmem>>, vector<16xf32>,
      %swap3A_298 = arith.index_cast %scan3A_32 : i32 to index
      %swap3A_299 = arith.constant 576 : index
      %swap3A_300 = tpu.vector_load %arg7[%swap3A_298, %swap3A_299] {strides = array<i32>} : memref<16x1024xf32, #tpu.memory_space<vmem>>, vector<16xf32>,
      tpu.vector_store %arg7[%swap3A_298, %swap3A_299], %gather3A_282 {strides = array<i32>} : memref<16x1024xf32, #tpu.memory_space<vmem>>, vector<16xf32>,
      %swap3A_301 = arith.index_cast %scan3A_32 : i32 to index
      %swap3A_302 = arith.constant 592 : index
      %swap3A_303 = tpu.vector_load %arg7[%swap3A_301, %swap3A_302] {strides = array<i32>} : memref<16x1024xf32, #tpu.memory_space<vmem>>, vector<16xf32>,
      tpu.vector_store %arg7[%swap3A_301, %swap3A_302], %gather3A_283 {strides = array<i32>} : memref<16x1024xf32, #tpu.memory_space<vmem>>, vector<16xf32>,
      %swap3A_304 = arith.index_cast %scan3A_32 : i32 to index
      %swap3A_305 = arith.constant 608 : index
      %swap3A_306 = tpu.vector_load %arg7[%swap3A_304, %swap3A_305] {strides = array<i32>} : memref<16x1024xf32, #tpu.memory_space<vmem>>, vector<16xf32>,
      tpu.vector_store %arg7[%swap3A_304, %swap3A_305], %gather3A_284 {strides = array<i32>} : memref<16x1024xf32, #tpu.memory_space<vmem>>, vector<16xf32>,
      %swap3A_307 = arith.index_cast %scan3A_32 : i32 to index
      %swap3A_308 = arith.constant 624 : index
      %swap3A_309 = tpu.vector_load %arg7[%swap3A_307, %swap3A_308] {strides = array<i32>} : memref<16x1024xf32, #tpu.memory_space<vmem>>, vector<16xf32>,
      tpu.vector_store %arg7[%swap3A_307, %swap3A_308], %gather3A_285 {strides = array<i32>} : memref<16x1024xf32, #tpu.memory_space<vmem>>, vector<16xf32>,
      %get3A_310 = arith.index_cast %scan3A_32 : i32 to index
      %get3A_311 = arith.constant 640 : index
      %get3A_312 = tpu.vector_load %arg6[%get3A_310, %get3A_311] {strides = array<i32>} : memref<16x1024xi32, #tpu.memory_space<vmem>>, vector<16xi32>,
      %get3A_313 = arith.index_cast %scan3A_32 : i32 to index
      %get3A_314 = arith.constant 656 : index
      %get3A_315 = tpu.vector_load %arg6[%get3A_313, %get3A_314] {strides = array<i32>} : memref<16x1024xi32, #tpu.memory_space<vmem>>, vector<16xi32>,
      %get3A_316 = arith.index_cast %scan3A_32 : i32 to index
      %get3A_317 = arith.constant 672 : index
      %get3A_318 = tpu.vector_load %arg6[%get3A_316, %get3A_317] {strides = array<i32>} : memref<16x1024xi32, #tpu.memory_space<vmem>>, vector<16xi32>,
      %get3A_319 = arith.index_cast %scan3A_32 : i32 to index
      %get3A_320 = arith.constant 688 : index
      %get3A_321 = tpu.vector_load %arg6[%get3A_319, %get3A_320] {strides = array<i32>} : memref<16x1024xi32, #tpu.memory_space<vmem>>, vector<16xi32>,
      %get3A_322 = arith.index_cast %scan3A_32 : i32 to index
      %get3A_323 = arith.constant 704 : index
      %get3A_324 = tpu.vector_load %arg6[%get3A_322, %get3A_323] {strides = array<i32>} : memref<16x1024xi32, #tpu.memory_space<vmem>>, vector<16xi32>,
      %get3A_325 = arith.index_cast %scan3A_32 : i32 to index
      %get3A_326 = arith.constant 720 : index
      %get3A_327 = tpu.vector_load %arg6[%get3A_325, %get3A_326] {strides = array<i32>} : memref<16x1024xi32, #tpu.memory_space<vmem>>, vector<16xi32>,
      %get3A_328 = arith.index_cast %scan3A_32 : i32 to index
      %get3A_329 = arith.constant 736 : index
      %get3A_330 = tpu.vector_load %arg6[%get3A_328, %get3A_329] {strides = array<i32>} : memref<16x1024xi32, #tpu.memory_space<vmem>>, vector<16xi32>,
      %get3A_331 = arith.index_cast %scan3A_32 : i32 to index
      %get3A_332 = arith.constant 752 : index
      %get3A_333 = tpu.vector_load %arg6[%get3A_331, %get3A_332] {strides = array<i32>} : memref<16x1024xi32, #tpu.memory_space<vmem>>, vector<16xi32>,
      %gather3A_334 = tpu.vector_load_idx %arg5[%get3A_312] : memref<1024xf32, #tpu.memory_space<vmem>>[vector<16xi32>], vector<16xf32>,
      %gather3A_335 = tpu.vector_load_idx %arg5[%get3A_315] : memref<1024xf32, #tpu.memory_space<vmem>>[vector<16xi32>], vector<16xf32>,
      %gather3A_336 = tpu.vector_load_idx %arg5[%get3A_318] : memref<1024xf32, #tpu.memory_space<vmem>>[vector<16xi32>], vector<16xf32>,
      %gather3A_337 = tpu.vector_load_idx %arg5[%get3A_321] : memref<1024xf32, #tpu.memory_space<vmem>>[vector<16xi32>], vector<16xf32>,
      %gather3A_338 = tpu.vector_load_idx %arg5[%get3A_324] : memref<1024xf32, #tpu.memory_space<vmem>>[vector<16xi32>], vector<16xf32>,
      %gather3A_339 = tpu.vector_load_idx %arg5[%get3A_327] : memref<1024xf32, #tpu.memory_space<vmem>>[vector<16xi32>], vector<16xf32>,
      %gather3A_340 = tpu.vector_load_idx %arg5[%get3A_330] : memref<1024xf32, #tpu.memory_space<vmem>>[vector<16xi32>], vector<16xf32>,
      %gather3A_341 = tpu.vector_load_idx %arg5[%get3A_333] : memref<1024xf32, #tpu.memory_space<vmem>>[vector<16xi32>], vector<16xf32>,
      %swap3A_342 = arith.index_cast %scan3A_32 : i32 to index
      %swap3A_343 = arith.constant 640 : index
      %swap3A_344 = tpu.vector_load %arg7[%swap3A_342, %swap3A_343] {strides = array<i32>} : memref<16x1024xf32, #tpu.memory_space<vmem>>, vector<16xf32>,
      tpu.vector_store %arg7[%swap3A_342, %swap3A_343], %gather3A_334 {strides = array<i32>} : memref<16x1024xf32, #tpu.memory_space<vmem>>, vector<16xf32>,
      %swap3A_345 = arith.index_cast %scan3A_32 : i32 to index
      %swap3A_346 = arith.constant 656 : index
      %swap3A_347 = tpu.vector_load %arg7[%swap3A_345, %swap3A_346] {strides = array<i32>} : memref<16x1024xf32, #tpu.memory_space<vmem>>, vector<16xf32>,
      tpu.vector_store %arg7[%swap3A_345, %swap3A_346], %gather3A_335 {strides = array<i32>} : memref<16x1024xf32, #tpu.memory_space<vmem>>, vector<16xf32>,
      %swap3A_348 = arith.index_cast %scan3A_32 : i32 to index
      %swap3A_349 = arith.constant 672 : index
      %swap3A_350 = tpu.vector_load %arg7[%swap3A_348, %swap3A_349] {strides = array<i32>} : memref<16x1024xf32, #tpu.memory_space<vmem>>, vector<16xf32>,
      tpu.vector_store %arg7[%swap3A_348, %swap3A_349], %gather3A_336 {strides = array<i32>} : memref<16x1024xf32, #tpu.memory_space<vmem>>, vector<16xf32>,
      %swap3A_351 = arith.index_cast %scan3A_32 : i32 to index
      %swap3A_352 = arith.constant 688 : index
      %swap3A_353 = tpu.vector_load %arg7[%swap3A_351, %swap3A_352] {strides = array<i32>} : memref<16x1024xf32, #tpu.memory_space<vmem>>, vector<16xf32>,
      tpu.vector_store %arg7[%swap3A_351, %swap3A_352], %gather3A_337 {strides = array<i32>} : memref<16x1024xf32, #tpu.memory_space<vmem>>, vector<16xf32>,
      %swap3A_354 = arith.index_cast %scan3A_32 : i32 to index
      %swap3A_355 = arith.constant 704 : index
      %swap3A_356 = tpu.vector_load %arg7[%swap3A_354, %swap3A_355] {strides = array<i32>} : memref<16x1024xf32, #tpu.memory_space<vmem>>, vector<16xf32>,
      tpu.vector_store %arg7[%swap3A_354, %swap3A_355], %gather3A_338 {strides = array<i32>} : memref<16x1024xf32, #tpu.memory_space<vmem>>, vector<16xf32>,
      %swap3A_357 = arith.index_cast %scan3A_32 : i32 to index
      %swap3A_358 = arith.constant 720 : index
      %swap3A_359 = tpu.vector_load %arg7[%swap3A_357, %swap3A_358] {strides = array<i32>} : memref<16x1024xf32, #tpu.memory_space<vmem>>, vector<16xf32>,
      tpu.vector_store %arg7[%swap3A_357, %swap3A_358], %gather3A_339 {strides = array<i32>} : memref<16x1024xf32, #tpu.memory_space<vmem>>, vector<16xf32>,
      %swap3A_360 = arith.index_cast %scan3A_32 : i32 to index
      %swap3A_361 = arith.constant 736 : index
      %swap3A_362 = tpu.vector_load %arg7[%swap3A_360, %swap3A_361] {strides = array<i32>} : memref<16x1024xf32, #tpu.memory_space<vmem>>, vector<16xf32>,
      tpu.vector_store %arg7[%swap3A_360, %swap3A_361], %gather3A_340 {strides = array<i32>} : memref<16x1024xf32, #tpu.memory_space<vmem>>, vector<16xf32>,
      %swap3A_363 = arith.index_cast %scan3A_32 : i32 to index
      %swap3A_364 = arith.constant 752 : index
      %swap3A_365 = tpu.vector_load %arg7[%swap3A_363, %swap3A_364] {strides = array<i32>} : memref<16x1024xf32, #tpu.memory_space<vmem>>, vector<16xf32>,
      tpu.vector_store %arg7[%swap3A_363, %swap3A_364], %gather3A_341 {strides = array<i32>} : memref<16x1024xf32, #tpu.memory_space<vmem>>, vector<16xf32>,
      %get3A_366 = arith.index_cast %scan3A_32 : i32 to index
      %get3A_367 = arith.constant 768 : index
      %get3A_368 = tpu.vector_load %arg6[%get3A_366, %get3A_367] {strides = array<i32>} : memref<16x1024xi32, #tpu.memory_space<vmem>>, vector<16xi32>,
      %get3A_369 = arith.index_cast %scan3A_32 : i32 to index
      %get3A_370 = arith.constant 784 : index
      %get3A_371 = tpu.vector_load %arg6[%get3A_369, %get3A_370] {strides = array<i32>} : memref<16x1024xi32, #tpu.memory_space<vmem>>, vector<16xi32>,
      %get3A_372 = arith.index_cast %scan3A_32 : i32 to index
      %get3A_373 = arith.constant 800 : index
      %get3A_374 = tpu.vector_load %arg6[%get3A_372, %get3A_373] {strides = array<i32>} : memref<16x1024xi32, #tpu.memory_space<vmem>>, vector<16xi32>,
      %get3A_375 = arith.index_cast %scan3A_32 : i32 to index
      %get3A_376 = arith.constant 816 : index
      %get3A_377 = tpu.vector_load %arg6[%get3A_375, %get3A_376] {strides = array<i32>} : memref<16x1024xi32, #tpu.memory_space<vmem>>, vector<16xi32>,
      %get3A_378 = arith.index_cast %scan3A_32 : i32 to index
      %get3A_379 = arith.constant 832 : index
      %get3A_380 = tpu.vector_load %arg6[%get3A_378, %get3A_379] {strides = array<i32>} : memref<16x1024xi32, #tpu.memory_space<vmem>>, vector<16xi32>,
      %get3A_381 = arith.index_cast %scan3A_32 : i32 to index
      %get3A_382 = arith.constant 848 : index
      %get3A_383 = tpu.vector_load %arg6[%get3A_381, %get3A_382] {strides = array<i32>} : memref<16x1024xi32, #tpu.memory_space<vmem>>, vector<16xi32>,
      %get3A_384 = arith.index_cast %scan3A_32 : i32 to index
      %get3A_385 = arith.constant 864 : index
      %get3A_386 = tpu.vector_load %arg6[%get3A_384, %get3A_385] {strides = array<i32>} : memref<16x1024xi32, #tpu.memory_space<vmem>>, vector<16xi32>,
      %get3A_387 = arith.index_cast %scan3A_32 : i32 to index
      %get3A_388 = arith.constant 880 : index
      %get3A_389 = tpu.vector_load %arg6[%get3A_387, %get3A_388] {strides = array<i32>} : memref<16x1024xi32, #tpu.memory_space<vmem>>, vector<16xi32>,
      %gather3A_390 = tpu.vector_load_idx %arg5[%get3A_368] : memref<1024xf32, #tpu.memory_space<vmem>>[vector<16xi32>], vector<16xf32>,
      %gather3A_391 = tpu.vector_load_idx %arg5[%get3A_371] : memref<1024xf32, #tpu.memory_space<vmem>>[vector<16xi32>], vector<16xf32>,
      %gather3A_392 = tpu.vector_load_idx %arg5[%get3A_374] : memref<1024xf32, #tpu.memory_space<vmem>>[vector<16xi32>], vector<16xf32>,
      %gather3A_393 = tpu.vector_load_idx %arg5[%get3A_377] : memref<1024xf32, #tpu.memory_space<vmem>>[vector<16xi32>], vector<16xf32>,
      %gather3A_394 = tpu.vector_load_idx %arg5[%get3A_380] : memref<1024xf32, #tpu.memory_space<vmem>>[vector<16xi32>], vector<16xf32>,
      %gather3A_395 = tpu.vector_load_idx %arg5[%get3A_383] : memref<1024xf32, #tpu.memory_space<vmem>>[vector<16xi32>], vector<16xf32>,
      %gather3A_396 = tpu.vector_load_idx %arg5[%get3A_386] : memref<1024xf32, #tpu.memory_space<vmem>>[vector<16xi32>], vector<16xf32>,
      %gather3A_397 = tpu.vector_load_idx %arg5[%get3A_389] : memref<1024xf32, #tpu.memory_space<vmem>>[vector<16xi32>], vector<16xf32>,
      %swap3A_398 = arith.index_cast %scan3A_32 : i32 to index
      %swap3A_399 = arith.constant 768 : index
      %swap3A_400 = tpu.vector_load %arg7[%swap3A_398, %swap3A_399] {strides = array<i32>} : memref<16x1024xf32, #tpu.memory_space<vmem>>, vector<16xf32>,
      tpu.vector_store %arg7[%swap3A_398, %swap3A_399], %gather3A_390 {strides = array<i32>} : memref<16x1024xf32, #tpu.memory_space<vmem>>, vector<16xf32>,
      %swap3A_401 = arith.index_cast %scan3A_32 : i32 to index
      %swap3A_402 = arith.constant 784 : index
      %swap3A_403 = tpu.vector_load %arg7[%swap3A_401, %swap3A_402] {strides = array<i32>} : memref<16x1024xf32, #tpu.memory_space<vmem>>, vector<16xf32>,
      tpu.vector_store %arg7[%swap3A_401, %swap3A_402], %gather3A_391 {strides = array<i32>} : memref<16x1024xf32, #tpu.memory_space<vmem>>, vector<16xf32>,
      %swap3A_404 = arith.index_cast %scan3A_32 : i32 to index
      %swap3A_405 = arith.constant 800 : index
      %swap3A_406 = tpu.vector_load %arg7[%swap3A_404, %swap3A_405] {strides = array<i32>} : memref<16x1024xf32, #tpu.memory_space<vmem>>, vector<16xf32>,
      tpu.vector_store %arg7[%swap3A_404, %swap3A_405], %gather3A_392 {strides = array<i32>} : memref<16x1024xf32, #tpu.memory_space<vmem>>, vector<16xf32>,
      %swap3A_407 = arith.index_cast %scan3A_32 : i32 to index
      %swap3A_408 = arith.constant 816 : index
      %swap3A_409 = tpu.vector_load %arg7[%swap3A_407, %swap3A_408] {strides = array<i32>} : memref<16x1024xf32, #tpu.memory_space<vmem>>, vector<16xf32>,
      tpu.vector_store %arg7[%swap3A_407, %swap3A_408], %gather3A_393 {strides = array<i32>} : memref<16x1024xf32, #tpu.memory_space<vmem>>, vector<16xf32>,
      %swap3A_410 = arith.index_cast %scan3A_32 : i32 to index
      %swap3A_411 = arith.constant 832 : index
      %swap3A_412 = tpu.vector_load %arg7[%swap3A_410, %swap3A_411] {strides = array<i32>} : memref<16x1024xf32, #tpu.memory_space<vmem>>, vector<16xf32>,
      tpu.vector_store %arg7[%swap3A_410, %swap3A_411], %gather3A_394 {strides = array<i32>} : memref<16x1024xf32, #tpu.memory_space<vmem>>, vector<16xf32>,
      %swap3A_413 = arith.index_cast %scan3A_32 : i32 to index
      %swap3A_414 = arith.constant 848 : index
      %swap3A_415 = tpu.vector_load %arg7[%swap3A_413, %swap3A_414] {strides = array<i32>} : memref<16x1024xf32, #tpu.memory_space<vmem>>, vector<16xf32>,
      tpu.vector_store %arg7[%swap3A_413, %swap3A_414], %gather3A_395 {strides = array<i32>} : memref<16x1024xf32, #tpu.memory_space<vmem>>, vector<16xf32>,
      %swap3A_416 = arith.index_cast %scan3A_32 : i32 to index
      %swap3A_417 = arith.constant 864 : index
      %swap3A_418 = tpu.vector_load %arg7[%swap3A_416, %swap3A_417] {strides = array<i32>} : memref<16x1024xf32, #tpu.memory_space<vmem>>, vector<16xf32>,
      tpu.vector_store %arg7[%swap3A_416, %swap3A_417], %gather3A_396 {strides = array<i32>} : memref<16x1024xf32, #tpu.memory_space<vmem>>, vector<16xf32>,
      %swap3A_419 = arith.index_cast %scan3A_32 : i32 to index
      %swap3A_420 = arith.constant 880 : index
      %swap3A_421 = tpu.vector_load %arg7[%swap3A_419, %swap3A_420] {strides = array<i32>} : memref<16x1024xf32, #tpu.memory_space<vmem>>, vector<16xf32>,
      tpu.vector_store %arg7[%swap3A_419, %swap3A_420], %gather3A_397 {strides = array<i32>} : memref<16x1024xf32, #tpu.memory_space<vmem>>, vector<16xf32>,
      %get3A_422 = arith.index_cast %scan3A_32 : i32 to index
      %get3A_423 = arith.constant 896 : index
      %get3A_424 = tpu.vector_load %arg6[%get3A_422, %get3A_423] {strides = array<i32>} : memref<16x1024xi32, #tpu.memory_space<vmem>>, vector<16xi32>,
      %get3A_425 = arith.index_cast %scan3A_32 : i32 to index
      %get3A_426 = arith.constant 912 : index
      %get3A_427 = tpu.vector_load %arg6[%get3A_425, %get3A_426] {strides = array<i32>} : memref<16x1024xi32, #tpu.memory_space<vmem>>, vector<16xi32>,
      %get3A_428 = arith.index_cast %scan3A_32 : i32 to index
      %get3A_429 = arith.constant 928 : index
      %get3A_430 = tpu.vector_load %arg6[%get3A_428, %get3A_429] {strides = array<i32>} : memref<16x1024xi32, #tpu.memory_space<vmem>>, vector<16xi32>,
      %get3A_431 = arith.index_cast %scan3A_32 : i32 to index
      %get3A_432 = arith.constant 944 : index
      %get3A_433 = tpu.vector_load %arg6[%get3A_431, %get3A_432] {strides = array<i32>} : memref<16x1024xi32, #tpu.memory_space<vmem>>, vector<16xi32>,
      %get3A_434 = arith.index_cast %scan3A_32 : i32 to index
      %get3A_435 = arith.constant 960 : index
      %get3A_436 = tpu.vector_load %arg6[%get3A_434, %get3A_435] {strides = array<i32>} : memref<16x1024xi32, #tpu.memory_space<vmem>>, vector<16xi32>,
      %get3A_437 = arith.index_cast %scan3A_32 : i32 to index
      %get3A_438 = arith.constant 976 : index
      %get3A_439 = tpu.vector_load %arg6[%get3A_437, %get3A_438] {strides = array<i32>} : memref<16x1024xi32, #tpu.memory_space<vmem>>, vector<16xi32>,
      %get3A_440 = arith.index_cast %scan3A_32 : i32 to index
      %get3A_441 = arith.constant 992 : index
      %get3A_442 = tpu.vector_load %arg6[%get3A_440, %get3A_441] {strides = array<i32>} : memref<16x1024xi32, #tpu.memory_space<vmem>>, vector<16xi32>,
      %get3A_443 = arith.index_cast %scan3A_32 : i32 to index
      %get3A_444 = arith.constant 1008 : index
      %get3A_445 = tpu.vector_load %arg6[%get3A_443, %get3A_444] {strides = array<i32>} : memref<16x1024xi32, #tpu.memory_space<vmem>>, vector<16xi32>,
      %gather3A_446 = tpu.vector_load_idx %arg5[%get3A_424] : memref<1024xf32, #tpu.memory_space<vmem>>[vector<16xi32>], vector<16xf32>,
      %gather3A_447 = tpu.vector_load_idx %arg5[%get3A_427] : memref<1024xf32, #tpu.memory_space<vmem>>[vector<16xi32>], vector<16xf32>,
      %gather3A_448 = tpu.vector_load_idx %arg5[%get3A_430] : memref<1024xf32, #tpu.memory_space<vmem>>[vector<16xi32>], vector<16xf32>,
      %gather3A_449 = tpu.vector_load_idx %arg5[%get3A_433] : memref<1024xf32, #tpu.memory_space<vmem>>[vector<16xi32>], vector<16xf32>,
      %gather3A_450 = tpu.vector_load_idx %arg5[%get3A_436] : memref<1024xf32, #tpu.memory_space<vmem>>[vector<16xi32>], vector<16xf32>,
      %gather3A_451 = tpu.vector_load_idx %arg5[%get3A_439] : memref<1024xf32, #tpu.memory_space<vmem>>[vector<16xi32>], vector<16xf32>,
      %gather3A_452 = tpu.vector_load_idx %arg5[%get3A_442] : memref<1024xf32, #tpu.memory_space<vmem>>[vector<16xi32>], vector<16xf32>,
      %gather3A_453 = tpu.vector_load_idx %arg5[%get3A_445] : memref<1024xf32, #tpu.memory_space<vmem>>[vector<16xi32>], vector<16xf32>,
      %swap3A_454 = arith.index_cast %scan3A_32 : i32 to index
      %swap3A_455 = arith.constant 896 : index
      %swap3A_456 = tpu.vector_load %arg7[%swap3A_454, %swap3A_455] {strides = array<i32>} : memref<16x1024xf32, #tpu.memory_space<vmem>>, vector<16xf32>,
      tpu.vector_store %arg7[%swap3A_454, %swap3A_455], %gather3A_446 {strides = array<i32>} : memref<16x1024xf32, #tpu.memory_space<vmem>>, vector<16xf32>,
      %swap3A_457 = arith.index_cast %scan3A_32 : i32 to index
      %swap3A_458 = arith.constant 912 : index
      %swap3A_459 = tpu.vector_load %arg7[%swap3A_457, %swap3A_458] {strides = array<i32>} : memref<16x1024xf32, #tpu.memory_space<vmem>>, vector<16xf32>,
      tpu.vector_store %arg7[%swap3A_457, %swap3A_458], %gather3A_447 {strides = array<i32>} : memref<16x1024xf32, #tpu.memory_space<vmem>>, vector<16xf32>,
      %swap3A_460 = arith.index_cast %scan3A_32 : i32 to index
      %swap3A_461 = arith.constant 928 : index
      %swap3A_462 = tpu.vector_load %arg7[%swap3A_460, %swap3A_461] {strides = array<i32>} : memref<16x1024xf32, #tpu.memory_space<vmem>>, vector<16xf32>,
      tpu.vector_store %arg7[%swap3A_460, %swap3A_461], %gather3A_448 {strides = array<i32>} : memref<16x1024xf32, #tpu.memory_space<vmem>>, vector<16xf32>,
      %swap3A_463 = arith.index_cast %scan3A_32 : i32 to index
      %swap3A_464 = arith.constant 944 : index
      %swap3A_465 = tpu.vector_load %arg7[%swap3A_463, %swap3A_464] {strides = array<i32>} : memref<16x1024xf32, #tpu.memory_space<vmem>>, vector<16xf32>,
      tpu.vector_store %arg7[%swap3A_463, %swap3A_464], %gather3A_449 {strides = array<i32>} : memref<16x1024xf32, #tpu.memory_space<vmem>>, vector<16xf32>,
      %swap3A_466 = arith.index_cast %scan3A_32 : i32 to index
      %swap3A_467 = arith.constant 960 : index
      %swap3A_468 = tpu.vector_load %arg7[%swap3A_466, %swap3A_467] {strides = array<i32>} : memref<16x1024xf32, #tpu.memory_space<vmem>>, vector<16xf32>,
      tpu.vector_store %arg7[%swap3A_466, %swap3A_467], %gather3A_450 {strides = array<i32>} : memref<16x1024xf32, #tpu.memory_space<vmem>>, vector<16xf32>,
      %swap3A_469 = arith.index_cast %scan3A_32 : i32 to index
      %swap3A_470 = arith.constant 976 : index
      %swap3A_471 = tpu.vector_load %arg7[%swap3A_469, %swap3A_470] {strides = array<i32>} : memref<16x1024xf32, #tpu.memory_space<vmem>>, vector<16xf32>,
      tpu.vector_store %arg7[%swap3A_469, %swap3A_470], %gather3A_451 {strides = array<i32>} : memref<16x1024xf32, #tpu.memory_space<vmem>>, vector<16xf32>,
      %swap3A_472 = arith.index_cast %scan3A_32 : i32 to index
      %swap3A_473 = arith.constant 992 : index
      %swap3A_474 = tpu.vector_load %arg7[%swap3A_472, %swap3A_473] {strides = array<i32>} : memref<16x1024xf32, #tpu.memory_space<vmem>>, vector<16xf32>,
      tpu.vector_store %arg7[%swap3A_472, %swap3A_473], %gather3A_452 {strides = array<i32>} : memref<16x1024xf32, #tpu.memory_space<vmem>>, vector<16xf32>,
      %swap3A_475 = arith.index_cast %scan3A_32 : i32 to index
      %swap3A_476 = arith.constant 1008 : index
      %swap3A_477 = tpu.vector_load %arg7[%swap3A_475, %swap3A_476] {strides = array<i32>} : memref<16x1024xf32, #tpu.memory_space<vmem>>, vector<16xf32>,
      tpu.vector_store %arg7[%swap3A_475, %swap3A_476], %gather3A_453 {strides = array<i32>} : memref<16x1024xf32, #tpu.memory_space<vmem>>, vector<16xf32>,
    }
    %scan3A_15 = arith.constant 16 : i32
    %dma_start3A_16 = arith.constant 0 : i32
    %dma_start3A_17 = arith.constant 0 : i32
    %dma_start3A_18 = tpu.memref_slice %arg4[%dma_start3A_16, %add3A, %dma_start3A_17] : memref<16x32x1024xf32, #tpu.memory_space<hbm>> -> memref<16x1x1024xf32, #tpu.memory_space<hbm>>
    %dma_start3A_19 = tpu.memref_squeeze %dma_start3A_18 : memref<16x1x1024xf32, #tpu.memory_space<hbm>> -> memref<16x1024xf32, #tpu.memory_space<hbm>>
    %dma_start3A_20 = arith.constant 0 : i32
    %dma_start3A_21 = arith.constant 0 : i32
    %dma_start3A_22 = tpu.memref_slice %arg4[%dma_start3A_20, %add3A, %dma_start3A_21] : memref<16x32x1024xf32, #tpu.memory_space<hbm>> -> memref<16x1x1024xf32, #tpu.memory_space<hbm>>
    %dma_start3A_23 = tpu.memref_squeeze %dma_start3A_22 : memref<16x1x1024xf32, #tpu.memory_space<hbm>> -> memref<16x1024xf32, #tpu.memory_space<hbm>>
    tpu.enqueue_dma source(%arg7 : memref<16x1024xf32, #tpu.memory_space<vmem>>) target(%dma_start3A_23 : memref<16x1024xf32, #tpu.memory_space<hbm>>) target_semaphore(%arg9 : memref<!tpu.dma_semaphore, #tpu.memory_space<semaphore_mem>>)
    %dma_wait3A_24 = arith.constant 0 : i32
    %dma_wait3A_25 = arith.constant 0 : i32
    %dma_wait3A_26 = tpu.memref_slice %arg4[%dma_wait3A_24, %add3A, %dma_wait3A_25] : memref<16x32x1024xf32, #tpu.memory_space<hbm>> -> memref<16x1x1024xf32, #tpu.memory_space<hbm>>
    %dma_wait3A_27 = tpu.memref_squeeze %dma_wait3A_26 : memref<16x1x1024xf32, #tpu.memory_space<hbm>> -> memref<16x1024xf32, #tpu.memory_space<hbm>>
    %dma_wait3A_28 = arith.constant 0 : i32
    %dma_wait3A_29 = arith.constant 0 : i32
    %dma_wait3A_30 = tpu.memref_slice %arg4[%dma_wait3A_28, %add3A, %dma_wait3A_29] : memref<16x32x1024xf32, #tpu.memory_space<hbm>> -> memref<16x1x1024xf32, #tpu.memory_space<hbm>>
    %dma_wait3A_31 = tpu.memref_squeeze %dma_wait3A_30 : memref<16x1x1024xf32, #tpu.memory_space<hbm>> -> memref<16x1024xf32, #tpu.memory_space<hbm>>
    tpu.wait_dma2 semaphore(%arg9 : memref<!tpu.dma_semaphore, #tpu.memory_space<semaphore_mem>>) src(%arg7 : memref<16x1024xf32, #tpu.memory_space<vmem>>) dst(%dma_wait3A_31 : memref<16x1024xf32, #tpu.memory_space<hbm>>)
    return
  }
}

module attributes {stable_mosaic.version = 14 : i64} {
  func.func @_argmin_body(%arg0: i32, %arg1: memref<4x32x1024xf32, #tpu.memory_space<vmem>>, %arg2: memref<1024x32xf32, #tpu.memory_space<vmem>>, %arg3: memref<1024x1xf32, #tpu.memory_space<vmem>>, %arg4: memref<1x1x4096xi32, #tpu.memory_space<vmem>>) attributes {dimension_semantics = [#tpu.dimension_semantics<arbitrary>], iteration_bounds = array<i64: 4>, scalar_prefetch = 0 : i64, scratch_operands = 0 : i64, tpu.core_type = #tpu.core_type<tc>, window_params = [{transform_indices = @transform_0, window_bounds = array<i64: 4, 32, 1024>}, {pipeline_mode = #tpu.pipeline_mode<synchronous>, transform_indices = @transform_1, window_bounds = array<i64: 1024, 32>}, {pipeline_mode = #tpu.pipeline_mode<synchronous>, transform_indices = @transform_2, window_bounds = array<i64: 1024, 1>}, {transform_indices = @transform_3, window_bounds = array<i64: 1, 1, 4096>}]} {
    %get3A = arith.constant 0 : index
    %get3A_0 = arith.constant 0 : index
    %get3A_1 = arith.constant 0 : index
    %get3A_2 = vector.load %arg1[%get3A, %get3A_0, %get3A_1] : memref<4x32x1024xf32, #tpu.memory_space<vmem>>, vector<1x32x1024xf32>
    %get3A_3 = vector.shape_cast %get3A_2 : vector<1x32x1024xf32> to vector<32x1024xf32>
    %get3A_4 = arith.constant 1 : index
    %get3A_5 = arith.constant 0 : index
    %get3A_6 = arith.constant 0 : index
    %get3A_7 = vector.load %arg1[%get3A_4, %get3A_5, %get3A_6] : memref<4x32x1024xf32, #tpu.memory_space<vmem>>, vector<1x32x1024xf32>
    %get3A_8 = vector.shape_cast %get3A_7 : vector<1x32x1024xf32> to vector<32x1024xf32>
    %get3A_9 = arith.constant 2 : index
    %get3A_10 = arith.constant 0 : index
    %get3A_11 = arith.constant 0 : index
    %get3A_12 = vector.load %arg1[%get3A_9, %get3A_10, %get3A_11] : memref<4x32x1024xf32, #tpu.memory_space<vmem>>, vector<1x32x1024xf32>
    %get3A_13 = vector.shape_cast %get3A_12 : vector<1x32x1024xf32> to vector<32x1024xf32>
    %get3A_14 = arith.constant 3 : index
    %get3A_15 = arith.constant 0 : index
    %get3A_16 = arith.constant 0 : index
    %get3A_17 = vector.load %arg1[%get3A_14, %get3A_15, %get3A_16] : memref<4x32x1024xf32, #tpu.memory_space<vmem>>, vector<1x32x1024xf32>
    %get3A_18 = vector.shape_cast %get3A_17 : vector<1x32x1024xf32> to vector<32x1024xf32>
    %concatenate3A = tpu.concatenate %get3A_3, %get3A_8, %get3A_13, %get3A_18 in 1 : vector<32x1024xf32>, vector<32x1024xf32>, vector<32x1024xf32>, vector<32x1024xf32> -> vector<32x4096xf32>
    %get3A_19 = arith.constant 0 : index
    %get3A_20 = arith.constant 0 : index
    %get3A_21 = vector.load %arg2[%get3A_19, %get3A_20] : memref<1024x32xf32, #tpu.memory_space<vmem>>, vector<1024x32xf32>
    %mul3A = arith.mulf %concatenate3A, %concatenate3A : vector<32x4096xf32>
    %reduce_sum3A = arith.constant dense<0.000000e+00> : vector<4096xf32>
    %reduce_sum3A_22 = vector.multi_reduction <add>, %mul3A, %reduce_sum3A [0] : vector<32x4096xf32> to vector<4096xf32>
    %broadcast_in_dim3A = vector.shape_cast %reduce_sum3A_22 : vector<4096xf32> to vector<1x4096xf32>
    %mul3A_23 = arith.mulf %get3A_21, %get3A_21 : vector<1024x32xf32>
    %reduce_sum3A_24 = arith.constant dense<0.000000e+00> : vector<1024xf32>
    %reduce_sum3A_25 = vector.multi_reduction <add>, %mul3A_23, %reduce_sum3A_24 [1] : vector<1024x32xf32> to vector<1024xf32>
    %broadcast_in_dim3A_26 = vector.shape_cast %reduce_sum3A_25 : vector<1024xf32> to vector<1024x1xf32>
    %dot_general3A = arith.constant dense<0.000000e+00> : vector<1024x4096xf32>
    %dot_general3A_27 = tpu.matmul %get3A_21, %concatenate3A, %dot_general3A {dimension_numbers = #tpu.dot_dimension_numbers<[1], [0], [0], [1], [0, 0, 1, 1], [], []>, transpose_lhs_hint = false} : vector<1024x32xf32>, vector<32x4096xf32>, vector<1024x4096xf32> -> vector<1024x4096xf32>
    %add3A = vector.broadcast %broadcast_in_dim3A : vector<1x4096xf32> to vector<1024x4096xf32>
    %add3A_28 = vector.broadcast %broadcast_in_dim3A_26 : vector<1024x1xf32> to vector<1024x4096xf32>
    %add3A_29 = arith.addf %add3A, %add3A_28 : vector<1024x4096xf32>
    %mul3A_30 = arith.constant 2.000000e+00 : f32
    %mul3A_31 = vector.broadcast %mul3A_30 : f32 to vector<1024x4096xf32>
    %mul3A_32 = arith.mulf %mul3A_31, %dot_general3A_27 : vector<1024x4096xf32>
    %sub3A = arith.subf %add3A_29, %mul3A_32 : vector<1024x4096xf32>
    %reduce_min3A = arith.constant dense<0x7F800000> : vector<4096xf32>
    %reduce_min3A_33 = vector.multi_reduction <minimumf>, %sub3A, %reduce_min3A [0] : vector<1024x4096xf32> to vector<4096xf32>
    %broadcast_in_dim3A_34 = vector.shape_cast %reduce_min3A_33 : vector<4096xf32> to vector<1x4096xf32>
    %eq3A = vector.broadcast %broadcast_in_dim3A_34 : vector<1x4096xf32> to vector<1024x4096xf32>
    %eq3A_35 = arith.cmpf oeq, %sub3A, %eq3A : vector<1024x4096xf32>
    %get3A_36 = arith.constant 0 : index
    %get3A_37 = arith.constant 0 : index
    %get3A_38 = vector.load %arg3[%get3A_36, %get3A_37] : memref<1024x1xf32, #tpu.memory_space<vmem>>, vector<1024x1xf32>
    %jit3A = arith.constant 1.024000e+03 : f32
    %broadcast_in_dim3A_39 = vector.shape_cast %get3A_38 : vector<1024x1xf32> to vector<1024x1xf32>
    %broadcast_in_dim3A_40 = vector.broadcast %broadcast_in_dim3A_39 : vector<1024x1xf32> to vector<1024x4096xf32>
    %broadcast_in_dim3A_41 = vector.broadcast %jit3A : f32 to vector<1024x4096xf32>
    %select_n3A = arith.select %eq3A_35, %broadcast_in_dim3A_40, %broadcast_in_dim3A_41 : vector<1024x4096xi1>, vector<1024x4096xf32>
    %reduce_min3A_42 = arith.constant dense<0x7F800000> : vector<4096xf32>
    %reduce_min3A_43 = vector.multi_reduction <minimumf>, %select_n3A, %reduce_min3A_42 [0] : vector<1024x4096xf32> to vector<4096xf32>
    %convert_element_type3A = arith.fptosi %reduce_min3A_43 : vector<4096xf32> to vector<4096xi32>
    %swap3A = arith.constant 0 : index
    %swap3A_44 = arith.constant 0 : index
    %swap3A_45 = arith.constant 0 : index
    %swap3A_46 = vector.load %arg4[%swap3A, %swap3A_44, %swap3A_45] : memref<1x1x4096xi32, #tpu.memory_space<vmem>>, vector<1x1x4096xi32>
    %swap3A_47 = vector.shape_cast %swap3A_46 : vector<1x1x4096xi32> to vector<4096xi32>
    %swap3A_48 = vector.shape_cast %convert_element_type3A : vector<4096xi32> to vector<1x1x4096xi32>
    tpu.vector_store %arg4[%swap3A, %swap3A_44, %swap3A_45], %swap3A_48 {strides = array<i32>} : memref<1x1x4096xi32, #tpu.memory_space<vmem>>, vector<1x1x4096xi32>,
    return
  }
  func.func @transform_0(%arg0: i32) -> (i32, i32, i32) {
    %c0_i32 = arith.constant 0 : i32
    %c0_i32_0 = arith.constant 0 : i32
    %c0_i32_1 = arith.constant 0 : i32
    return %arg0, %c0_i32, %c0_i32_0 : i32, i32, i32
  }
  func.func @transform_1(%arg0: i32) -> (i32, i32) {
    %c0_i32 = arith.constant 0 : i32
    %c0_i32_0 = arith.constant 0 : i32
    %c0_i32_1 = arith.constant 0 : i32
    return %c0_i32, %c0_i32_0 : i32, i32
  }
  func.func @transform_2(%arg0: i32) -> (i32, i32) {
    %c0_i32 = arith.constant 0 : i32
    %c0_i32_0 = arith.constant 0 : i32
    %c0_i32_1 = arith.constant 0 : i32
    return %c0_i32, %c0_i32_0 : i32, i32
  }
  func.func @transform_3(%arg0: i32) -> (i32, i32, i32) {
    %c0_i32 = arith.constant 0 : i32
    %c0_i32_0 = arith.constant 0 : i32
    %c0_i32_1 = arith.constant 0 : i32
    return %arg0, %c0_i32, %c0_i32_0 : i32, i32, i32
  }
}

</mosaic_0001>

<sc_bundles>
// kernel: kernel.4.cloned.1.call-start
scs
__scs_entry_jumppad:
0x0: {  	(pc) =	sbr.rel $0x88, $3  }
0x1: {  	(tag) =	ssettag $0x0;
	lr =	simm.s32 $0x1  }
0x2: {  	[smem:$0x3F9F] =	sst lr;
	_ =	strace $0xD0000000  }
0x3: {  	_ = 	snop  }
0x4: {  	_ = 	snop  }
0x5: {  	_ = 	snop  }
0x6: {  	_ = 	snop  }
0x7: {  	_ = 	snop  }
__scs_overlays_trampoline_lowered:
0x8: {  	[smem:$0x3FAE] =	sst s0  }
0x9: {  	[smem:$0x3FAF] =	sst s1  }
0xa: {  	[smem:$0x3FB0] =	sst s2  }
0xb: {  	[smem:$0x3FB1] =	sst s3  }
0xc: {  	[smem:$0x3FB2] =	sst s4  }
0xd: {  	[smem:$0x3FB3] =	sst s5  }
0xe: {  	[smem:$0x3FB4] =	sst s6  }
0xf: {  	[smem:$0x3FB5] =	sst s7  }
0x10: {  	[smem:$0x3FB6] =	sst s8  }
0x11: {  	[smem:$0x3FB7] =	sst s9;
	s0 =	simm.s32 @!p0 $0x0  }
0x12: {  	s1 =	sld [smem:$0x3F9D];
	s0 =	simm.s32 @p0 $0x1  }
0x13: {  	[smem:$0x3FB8] =	sst s0;
	s0 =	simm.s32 @!p1 $0x0  }
0x14: {  	s2 =	sld [smem:$0x3F9C];
	s0 =	simm.s32 @p1 $0x1  }
0x15: {  	[smem:$0x3FB9] =	sst s0;
	s0 =	simm.s32 @!p2 $0x0  }
0x16: {  	s3 =	sld [smem:$0x3FDB];
	s0 =	simm.s32 @p2 $0x1  }
0x17: {  	s4 =	simm.s32 $0x1BF5;
	[smem:$0x3FBB] =	sst s0  }
0x18: {  	s0 =	sld [smem:$0x3F9E];
	_ =	swait.ge [sflag:s4], $0x0  }
0x19: {  	s7 =	sld [smem:$0x3F9F]  }
0x1a: {  	s8 =	sadd.s32 $0xFFFFE003, lr  }
0x1b: {  	s9 =	sadd.s32 $0xFFFFFEF7, lr;
	s5 =	simm.s32 $0xFFFFFFFF;
	p2 =	slt.u32 s8, $0xFFFFF086  }
0x1c: {  	p1 =	slt.u32 s9, $0xF7A;
	s5 =	simm.s32 @!p2 $0x0  }
0x1d: {  	s5 =	simm.s32 @p1 $0x1;
	p0 =	seq.s32 s7, s2  }
0x1e: {  	s7 =	smul.u32 @!p0 $0xF7A, s2;
	p2 =	seq.s32 @!p0 s5, $0x0  }
0x1f: {  	s9 =	smul.u32 $0xF7A, s1;
	s8 =	simm.s32 @!p0 $0x1BF5;
	p2 =	por !p2, p0  }
0x20: {  	[sflag:s8] =	ssyncset.s32 @!p0 $0xFFFFF086;
	s6 =	sadd.s32 @!p0 s3, s7;
	s7 =	simm.s32 @!p0 $0x108  }
0x21: {  	s3 =	sadd.s32 s3, s9;
	s6 =	sadd.s32 @!p0 $0x88, s6;
	s7 =	simm.s32 @p2 $0x1082  }
0x22: {  	[simem:s7], [sflag:s8] =	dma.local @!p0 [hbm:s6], $0xF7A  }
0x23: {  	s9 =	sor.u32 $0xD0000000, s2;
	s6 =	simm.s32 $0x108;
	_ =	swait.ge @!p0 [sflag:s8], $0x0  }
0x24: {  	s3 =	sadd.s32 $0x88, s3;
	s6 =	simm.s32 @!p1 $0x1082;
	[sflag:s4] =	ssyncset.s32 $0xFFFFF086  }
0x25: {  	[simem:s6], [sflag:s4] =	dma.local [hbm:s3], $0xF7A  }
0x26: {  	[smem:$0x3F9F] =	sst s1;
	(tag) =	ssettag s2;
	_ =	strace s9  }
0x27: {  	s1 =	sld [smem:$0x3FAF]  }
0x28: {  	s2 =	sld [smem:$0x3FB0]  }
0x29: {  	s4 =	sld [smem:$0x3FB2]  }
0x2a: {  	p0 =	seq.s32 s5, $0x0;
	s5 =	sld [smem:$0x3FB3]  }
0x2b: {  	s6 =	sld [smem:$0x3FB4]  }
0x2c: {  	s7 =	sld [smem:$0x3FB5]  }
0x2d: {  	s3 =	simm.s32 $0x108;
	s8 =	sld [smem:$0x3FB6]  }
0x2e: {  	s3 =	simm.s32 @!p0 $0x1082;
	s9 =	sld [smem:$0x3FB7]  }
0x2f: {  	lr =	sadd.s32 s0, s3;
	s0 =	sld [smem:$0x3FAE]  }
0x30: {  	s3 =	sld [smem:$0x3FB1]  }
0x31: {  	[smem:$0x3FBA] =	sst s10  }
0x32: {  	s10 =	sld [smem:$0x3FB8];
	_ =	sdelay $0x3  }
0x33: {  	p0 =	seq.s32 s10, $0x1;
	s10 =	sld [smem:$0x3FBA];
	_ =	sdelay $0x3  }
0x34: {  	[smem:$0x3FBA] =	sst s10  }
0x35: {  	s10 =	sld [smem:$0x3FB9];
	_ =	sdelay $0x3  }
0x36: {  	p1 =	seq.s32 s10, $0x1;
	s10 =	sld [smem:$0x3FBA];
	_ =	sdelay $0x3  }
0x37: {  	[smem:$0x3FBA] =	sst s10  }
0x38: {  	s10 =	sld [smem:$0x3FBB]  }
0x39: {  	_ = 	snop;
	(pc) =	sbr.ind lr, $3  }
0x3a: {  	_ = 	snop  }
0x3b: {  	_ = 	snop  }
0x3c: {  	p2 =	seq.s32 s10, $0x1;
	s10 =	sld [smem:$0x3FBA]  }
0x3d: {  	_ =	shalt  }
0x3e: {  	_ =	shalt  }
0x3f: {  	_ =	shalt  }
0x40: {  	_ =	shalt  }
0x41: {  	_ =	shalt  }
0x42: {  	_ =	shalt  }
0x43: {  	_ =	shalt  }
0x44: {  	_ =	shalt  }
0x45: {  	_ =	shalt  }
0x46: {  	_ =	shalt  }
0x47: {  	_ =	shalt  }
0x48: {  	_ =	shalt  }
0x49: {  	_ =	shalt  }
0x4a: {  	_ =	shalt  }
0x4b: {  	_ =	shalt  }
0x4c: {  	_ =	shalt  }
0x4d: {  	_ =	shalt  }
0x4e: {  	_ =	shalt  }
0x4f: {  	_ =	shalt  }
0x50: {  	_ =	shalt  }
0x51: {  	_ =	shalt  }
0x52: {  	_ =	shalt  }
0x53: {  	_ =	shalt  }
0x54: {  	_ =	shalt  }
0x55: {  	_ =	shalt  }
0x56: {  	_ =	shalt  }
0x57: {  	_ =	shalt  }
0x58: {  	_ =	shalt  }
0x59: {  	_ =	shalt  }
0x5a: {  	_ =	shalt  }
0x5b: {  	_ =	shalt  }
0x5c: {  	_ =	shalt  }
0x5d: {  	_ =	shalt  }
0x5e: {  	_ =	shalt  }
0x5f: {  	_ =	shalt  }
0x60: {  	_ =	shalt  }
0x61: {  	_ =	shalt  }
0x62: {  	_ =	shalt  }
0x63: {  	_ =	shalt  }
0x64: {  	_ =	shalt  }
0x65: {  	_ =	shalt  }
0x66: {  	_ =	shalt  }
0x67: {  	_ =	shalt  }
0x68: {  	_ =	shalt  }
0x69: {  	_ =	shalt  }
0x6a: {  	_ =	shalt  }
0x6b: {  	_ =	shalt  }
0x6c: {  	_ =	shalt  }
0x6d: {  	_ =	shalt  }
0x6e: {  	_ =	shalt  }
0x6f: {  	_ =	shalt  }
0x70: {  	_ =	shalt  }
0x71: {  	_ =	shalt  }
0x72: {  	_ =	shalt  }
0x73: {  	_ =	shalt  }
0x74: {  	_ =	shalt  }
0x75: {  	_ =	shalt  }
0x76: {  	_ =	shalt  }
0x77: {  	_ =	shalt  }
0x78: {  	_ =	shalt  }
0x79: {  	_ =	shalt  }
0x7a: {  	_ =	shalt  }
0x7b: {  	_ =	shalt  }
0x7c: {  	_ =	shalt  }
0x7d: {  	_ =	shalt  }
0x7e: {  	_ =	shalt  }
0x7f: {  	_ =	shalt  }
0x80: {  	_ =	shalt  }
0x81: {  	_ =	shalt  }
0x82: {  	_ =	shalt  }
0x83: {  	_ =	shalt  }
0x84: {  	_ =	shalt  }
0x85: {  	_ =	shalt  }
0x86: {  	_ =	shalt  }
0x87: {  	_ =	shalt  }
.Lfunc_end0:
.L_simem_size_0:
called_computation_lowered:
.L_overlay_start_0:
0x88: {  	s2 =	sld [smem:$0x3FD9]  }
0x89: {  	s3 =	sld [smem:$0x3FFE];
	_ =	sdelay $0x1  }
0x8a: {  	s1 =	srdreg.scid  }
0x8b: {  	s0 =	sand.u32 $0x1, s1  }
0x8c: {  	s14 =	sshll.u32 s0, $0xA;
	s2 =	sadd.s32 s3, s2  }
0x8d: {  	s2 =	sadd.s32 s2, s14  }
0x8e: {  	[smem:$0x3FC6] =	sst s2  }
0x8f: {  	_ = 	snop  }
0x90: {  	s2 =	sld [smem:$0x3FD0];
	_ =	sdelay $0x2  }
0x91: {  	s4 =	simm.s32 $0xA;
	s5 =	simm.s32 $0x10;
	s15 =	sld [smem:$0x3FC8]  }
0x92: {  	[smem:s5], [sflag:s4] =	dma.local [hbm:s2], $0x1  }
0x93: {  	_ =	swait.eq [sflag:s4], $0x1  }
0x94: {  	[sflag:s4] =	ssyncset.done $0x0  }
0x95: {  	[sflag:s4] =	ssyncadd.s32 $0xFFFFFFFF  }
0x96: {  	s16 =	sld [smem:$0x10];
	(tm) =	ssettm $0x1  }
0x97: {  	s17 =	sld [smem:$0x3FFB];
	_ =	sdelay $0x3  }
0x98: {  	_ =	strace s17  }
0x99: {  	s4 =	sld [smem:$0x3FFC];
	_ =	sdelay $0x3  }
0x9a: {  	_ =	strace s4  }
0x9b: {  	s4 =	sld [smem:$0x3FFD];
	_ =	sdelay $0x3  }
0x9c: {  	_ =	strace s4  }
0x9d: {  	_ =	strace $0x8FFFFFFF  }
0x9e: {  	s18 =	sld [smem:$0x3FDB];
	_ =	sdelay $0x1  }
0x9f: {  	s19 =	simm.s32 $_scs_section_size  }
0xa0: {  	s6 =	simm.s32 $_size__tile_overlayer_lowered;
	s7 =	simm.s32 $_tile_overlayer_lowered  }
0xa1: {  	s22 =	simm.s32 $0x1BFF;
	s21 =	sshll.u32 s7, $0x1;
	s4 =	sadd.s32 s19, s18  }
0xa2: {  	s8 =	simm.s32 $0x0;
	s20 =	sshll.u32 s6, $0x1;
	s6 =	sadd.s32 s21, s4  }
0xa3: {  	[timem:s8], [sflag:s22] =	dma.local [hbm:s6], s20  }
0xa4: {  	_ =	swait.ge [sflag:s22], s20  }
0xa5: {  	s5 =	ssub.s32 $0x0, s20;
	[sflag:s22] =	ssyncset.done $0x0  }
0xa6: {  	[sflag:s22] =	ssyncadd.s32 s5;
	_ =	sdelay $0x1  }
0xa7: {  	s23 =	simm.s32 $0x1B8B  }
0xa8: {  	_ =	swait.ge [sflag:s23], $0x1  }
0xa9: {  	[sflag:s23] =	ssyncset.done $0x0  }
0xaa: {  	s25 =	simm.s32 $0x1B8E;
	s24 =	sld [smem:$0x3FFE];
	[sflag:s23] =	ssyncadd.s32 $0xFFFFFFFF  }
0xab: {  	s26 =	simm.s32 $execute0_lowered;
	[smem:$0x3FD2] =	sst s25  }
0xac: {  	s6 =	sshll.u32 s26, $0x1;
	_ =	strace $0x80000046;
	[dreg:$0x1] =	wrdreg $0xFFFFFFFF  }
0xad: {  	s28 =	simm.s32 $_size_execute0_lowered;
	s4 =	sadd.s32 s4, s6;
	[dreg:$0x0] =	wrdreg $0x0  }
0xae: {  	s6 =	sshll.u32 s28, $0x1;
	[dreg:$0x2] =	wrdreg s4  }
0xaf: {  	[dreg:$0x3] =	wrdreg s6  }
0xb0: {  	[dreg:$0x4] =	wrdreg $0xC0  }
0xb1: {  	_ =	task [dreg:s8], $0x5FFFF  }
0xb2: {  	[dreg:$0x1] =	wrdreg $0xFFFFFFFF  }
0xb3: {  	[dreg:$0x0] =	wrdreg $0x60  }
0xb4: {  	[dreg:$0x2] =	wrdreg s15  }
0xb5: {  	[dreg:$0x3] =	wrdreg s16  }
0xb6: {  	[dreg:$0x4] =	wrdreg s24  }
0xb7: {  	[dreg:$0x5] =	wrdreg $0x9  }
0xb8: {  	_ =	task.clear_ibuf [dreg:s8], $0x6FFFF;
	_ =	strace $0x90000046  }
0xb9: {  	s29 =	simm.s32 $0x9;
	_ =	strace $0x80000048  }
0xba: {  	_ =	swait.ge [sflag:s29], $0x1  }
0xbb: {  	[sflag:s29] =	ssyncadd.s32 $0xFFFFFFFF  }
0xbc: {  	_ =	strace $0x90000048  }
0xbd: {  	_ =	sfence  }
0xbe: {  	s30 =	sld [smem:$0x0];
	_ =	sdelay $0x2  }
0xbf: {  	s31 =	sshll.u32 s1, $0xD;
	s1 =	sshrl.u32 s1, $0x2  }
0xc0: {  	s3 =	sand.u32 $0x4000, s31;
	s1 =	sadd.s32 s1, s30  }
0xc1: {  	s0 =	sor.u32 s3, s0;
	s1 =	sshll.u32 s1, $0x11  }
0xc2: {  	s0 =	sor.u32 s1, s0  }
0xc3: {  	s0 =	sadd.s32 $0x8F2B, s0  }
0xc4: {  	[sflag:s0] =	ssyncadd.remote.s32 $0x1  }
0xc5: {  	_ =	sfence.sel $0xFFFF  }
0xc6: {  	[dreg:$0x0] =	wrdreg $0xFFFFFFFF;
	(pc) =	sbr.abs _section_cstart, $3  }
0xc7: {  	[dreg:$0x1] =	wrdreg $0xFFFFFFFF  }
0xc8: {  	_ =	task.clear_ibuf [dreg:s8], $0x2FFFF;
	_ =	strace $0x9FFFFFFF  }
0xc9: {  	(tm) =	ssettm $0x7FFFFFFF  }
tec
execute0_lowered:
.L_overlay_start_1:
0x0: {  	(tag) =	ssettag $0x1  }
0x1: {  	s0 =	rddreg [dreg:$0x0]  }
0x2: {  	s1 =	rddreg [dreg:$0x2]  }
0x3: {  	s4 =	srdreg.scid;
	s2 =	stileid.u32  }
0x4: {  	s3 =	simm.s32 $0x0;
	s8 =	simm.s32 $0x400;
	s9 =	simm.s32 $0x1  }
0x5: {  	s10 =	simm.s32 $0x8000;
	s17 =	simm.s32 $0x5C00;
	s18 =	simm.s32 $0x6000  }
0x6: {  	s19 =	simm.s32 $0x6400;
	s20 =	simm.s32 $0x6800;
	s21 =	simm.s32 $0x6C00  }
0x7: {  	s22 =	simm.s32 $0x7000;
	s23 =	simm.s32 $0x7400;
	s24 =	simm.s32 $0x7800  }
0x8: {  	s25 =	simm.s32 $0x7C00;
	s26 =	simm.s32 $0x2;
	s28 =	simm.s32 $0x0  }
0x9: {  	s4 =	sand.u32 $0x1, s4;
	s5 =	sshll.u32 s2, $0x5;
	s6 =	sshll.u32 s2, $0x8  }
0xa: {  	[smem:$0x7FF] =	sst s3;
	s7 =	sshll.u32 s4, $0x4;
	s5 =	sand.u32 $0x60, s5  }
0xb: {  	s6 =	sand.u32 $0xC00, s6;
	s4 =	ssub.s32 $0x2, s4;
	s5 =	sor.u32 s7, s5  }
0xc: {  	_ =	strace $0x80000047;
	s31 =	sshrl.u32 s4, $0x1;
	s5 =	sor.u32 s6, s5  }
0xd: {  	s7 =	simm.s32 $0x80;
	s6 =	ssub.s32 s4, s31;
	s1 =	sadd.s32 s5, s1  }
0xe: {  	s4 =	sadd.s32 s0, s5;
	s6 =	smax.u32 s6, $0x1;
	s5 =	sadd.s32 $0x200, s1  }
.LBB2_1:
0xf: {  	[tilespmem:s3], [sflag:$0x1] =	stream.strided.gather [hbm4b:s4+s7], $0x400, s8, s7, $0x38;
	[tilespmem:$0x8400] =	vst v63  }
0x10: {  	s0 =	rddreg [dreg:$0x1]  }
0x11: {  	[tilespmem:s8], [sflag:$0x1] =	stream.linear.gather [hbm4b:s0+s3], $0x4000, $0x38;
	[tilespmem:$0x8400] =	vst v63  }
0x12: {  	_ =	swait.ge [sflag:s9], $0x400  }
0x13: {  	[sflag:s9] =	ssyncset.done $0x0  }
0x14: {  	[sflag:s9] =	ssyncadd.s32 $0xFFFFFC00  }
0x15: {  	_ =	swait.ge [sflag:s9], $0x4000  }
0x16: {  	s29 =	simm.s32 $0xFFFFC000;
	s30 =	simm.s32 $0x0;
	[sflag:s9] =	ssyncset.done $0x0  }
0x17: {  	s31 =	simm.s32 $0x0;
	s0 =	simm.s32 $0x0;
	[sflag:s9] =	ssyncadd.s32 $0xFFFFC000  }
.LBB2_2:
0x18: {  	s1 =	sadd.s32 $0x4000, s29  }
0x19: {  	s2 =	sand.u32 $0x380, s0;
	s1 =	sand.u32 $0x2000, s1  }
0x1a: {  	s1 =	sor.u32 s2, s1  }
0x1b: {  	v0 =	vld [tilespmem:s1+$0x400]  }
0x1c: {  	v1 =	vld [tilespmem:s1+$0x410]  }
0x1d: {  	v2 =	vld [tilespmem:s1+$0x420]  }
0x1e: {  	v3 =	vld [tilespmem:s1+$0x430]  }
0x1f: {  	v4 =	vld [tilespmem:s1+$0x440]  }
0x20: {  	v5 =	vld [tilespmem:s1+$0x450]  }
0x21: {  	v6 =	vld [tilespmem:s1+$0x460]  }
0x22: {  	v7 =	vld [tilespmem:s1+$0x470]  }
0x23: {  	v16 =	vld [tilespmem:s1+$0x800]  }
0x24: {  	v17 =	vld [tilespmem:s1+$0x810]  }
0x25: {  	v18 =	vld [tilespmem:s1+$0x820]  }
0x26: {  	v19 =	vld [tilespmem:s1+$0x830]  }
0x27: {  	v20 =	vld [tilespmem:s1+$0x840]  }
0x28: {  	v21 =	vld [tilespmem:s1+$0x850]  }
0x29: {  	v0 =	vld.idx.msk [tilespmem:v0+s3+$0x0], $0xffff  }
0x2a: {  	v1 =	vld.idx.msk [tilespmem:v1+s3+$0x0], $0xffff  }
0x2b: {  	v2 =	vld.idx.msk [tilespmem:v2+s3+$0x0], $0xffff  }
0x2c: {  	v3 =	vld.idx.msk [tilespmem:v3+s3+$0x0], $0xffff  }
0x2d: {  	v4 =	vld.idx.msk [tilespmem:v4+s3+$0x0], $0xffff  }
0x2e: {  	v5 =	vld.idx.msk [tilespmem:v5+s3+$0x0], $0xffff  }
0x2f: {  	v6 =	vld.idx.msk [tilespmem:v6+s3+$0x0], $0xffff  }
0x30: {  	v7 =	vld.idx.msk [tilespmem:v7+s3+$0x0], $0xffff;
	[tilespmem:s1+$0x4400] =	vst v0  }
0x31: {  	v22 =	vld [tilespmem:s1+$0x860];
	[tilespmem:s1+$0x4410] =	vst v1  }
0x32: {  	v23 =	vld [tilespmem:s1+$0x870];
	[tilespmem:s1+$0x4420] =	vst v2  }
0x33: {  	v24 =	vld [tilespmem:s1+$0xC00];
	[tilespmem:s1+$0x4430] =	vst v3  }
0x34: {  	v25 =	vld [tilespmem:s1+$0xC10];
	[tilespmem:s1+$0x4440] =	vst v4  }
0x35: {  	v26 =	vld [tilespmem:s1+$0xC20];
	[tilespmem:s1+$0x4450] =	vst v5  }
0x36: {  	v27 =	vld [tilespmem:s1+$0xC30];
	[tilespmem:s1+$0x4460] =	vst v6  }
0x37: {  	v28 =	vld [tilespmem:s1+$0xC40];
	[tilespmem:s1+$0x4470] =	vst v7  }
0x38: {  	v0 =	vld.idx.msk [tilespmem:v16+s3+$0x0], $0xffff  }
0x39: {  	v1 =	vld.idx.msk [tilespmem:v17+s3+$0x0], $0xffff  }
0x3a: {  	v2 =	vld.idx.msk [tilespmem:v18+s3+$0x0], $0xffff  }
0x3b: {  	v3 =	vld.idx.msk [tilespmem:v19+s3+$0x0], $0xffff  }
0x3c: {  	v4 =	vld.idx.msk [tilespmem:v20+s3+$0x0], $0xffff  }
0x3d: {  	v5 =	vld.idx.msk [tilespmem:v21+s3+$0x0], $0xffff  }
0x3e: {  	v6 =	vld.idx.msk [tilespmem:v22+s3+$0x0], $0xffff  }
0x3f: {  	v7 =	vld.idx.msk [tilespmem:v23+s3+$0x0], $0xffff;
	[tilespmem:s1+$0x4800] =	vst v0  }
0x40: {  	v29 =	vld [tilespmem:s1+$0xC50];
	[tilespmem:s1+$0x4810] =	vst v1  }
0x41: {  	v30 =	vld [tilespmem:s1+$0xC60];
	[tilespmem:s1+$0x4820] =	vst v2  }
0x42: {  	v31 =	vld [tilespmem:s1+$0xC70];
	[tilespmem:s1+$0x4830] =	vst v3  }
0x43: {  	v32 =	vld [tilespmem:s1+$0x1000];
	[tilespmem:s1+$0x4840] =	vst v4  }
0x44: {  	v33 =	vld [tilespmem:s1+$0x1010];
	[tilespmem:s1+$0x4850] =	vst v5  }
0x45: {  	v34 =	vld [tilespmem:s1+$0x1020];
	[tilespmem:s1+$0x4860] =	vst v6  }
0x46: {  	v35 =	vld [tilespmem:s1+$0x1030];
	[tilespmem:s1+$0x4870] =	vst v7  }
0x47: {  	v0 =	vld.idx.msk [tilespmem:v24+s3+$0x0], $0xffff  }
0x48: {  	v1 =	vld.idx.msk [tilespmem:v25+s3+$0x0], $0xffff  }
0x49: {  	v2 =	vld.idx.msk [tilespmem:v26+s3+$0x0], $0xffff  }
0x4a: {  	v3 =	vld.idx.msk [tilespmem:v27+s3+$0x0], $0xffff  }
0x4b: {  	v4 =	vld.idx.msk [tilespmem:v28+s3+$0x0], $0xffff  }
0x4c: {  	v5 =	vld.idx.msk [tilespmem:v29+s3+$0x0], $0xffff  }
0x4d: {  	v6 =	vld.idx.msk [tilespmem:v30+s3+$0x0], $0xffff  }
0x4e: {  	v7 =	vld.idx.msk [tilespmem:v31+s3+$0x0], $0xffff;
	[tilespmem:s1+$0x4C00] =	vst v0  }
0x4f: {  	v36 =	vld [tilespmem:s1+$0x1040];
	[tilespmem:s1+$0x4C10] =	vst v1  }
0x50: {  	v37 =	vld [tilespmem:s1+$0x1050];
	[tilespmem:s1+$0x4C20] =	vst v2  }
0x51: {  	v38 =	vld [tilespmem:s1+$0x1060];
	[tilespmem:s1+$0x4C30] =	vst v3  }
0x52: {  	v39 =	vld [tilespmem:s1+$0x1070];
	[tilespmem:s1+$0x4C40] =	vst v4  }
0x53: {  	v40 =	vld [tilespmem:s1+$0x1400];
	[tilespmem:s1+$0x4C50] =	vst v5  }
0x54: {  	v41 =	vld [tilespmem:s1+$0x1410];
	[tilespmem:s1+$0x4C60] =	vst v6  }
0x55: {  	v42 =	vld [tilespmem:s1+$0x1420];
	[tilespmem:s1+$0x4C70] =	vst v7  }
0x56: {  	v0 =	vld.idx.msk [tilespmem:v32+s3+$0x0], $0xffff  }
0x57: {  	v1 =	vld.idx.msk [tilespmem:v33+s3+$0x0], $0xffff  }
0x58: {  	v2 =	vld.idx.msk [tilespmem:v34+s3+$0x0], $0xffff  }
0x59: {  	v3 =	vld.idx.msk [tilespmem:v35+s3+$0x0], $0xffff  }
0x5a: {  	v4 =	vld.idx.msk [tilespmem:v36+s3+$0x0], $0xffff  }
0x5b: {  	v5 =	vld.idx.msk [tilespmem:v37+s3+$0x0], $0xffff  }
0x5c: {  	v6 =	vld.idx.msk [tilespmem:v38+s3+$0x0], $0xffff  }
0x5d: {  	v7 =	vld.idx.msk [tilespmem:v39+s3+$0x0], $0xffff;
	[tilespmem:s1+$0x5000] =	vst v0  }
0x5e: {  	v43 =	vld [tilespmem:s1+$0x1430];
	[tilespmem:s1+$0x5010] =	vst v1  }
0x5f: {  	v44 =	vld [tilespmem:s1+$0x1440];
	[tilespmem:s1+$0x5020] =	vst v2  }
0x60: {  	v45 =	vld [tilespmem:s1+$0x1450];
	[tilespmem:s1+$0x5030] =	vst v3  }
0x61: {  	v46 =	vld [tilespmem:s1+$0x1460];
	[tilespmem:s1+$0x5040] =	vst v4  }
0x62: {  	v47 =	vld [tilespmem:s1+$0x1470];
	[tilespmem:s1+$0x5050] =	vst v5  }
0x63: {  	v48 =	vld [tilespmem:s1+$0x1800];
	[tilespmem:s1+$0x5060] =	vst v6  }
0x64: {  	v49 =	vld [tilespmem:s1+$0x1810];
	[tilespmem:s1+$0x5070] =	vst v7  }
0x65: {  	v0 =	vld.idx.msk [tilespmem:v40+s3+$0x0], $0xffff  }
0x66: {  	v1 =	vld.idx.msk [tilespmem:v41+s3+$0x0], $0xffff  }
0x67: {  	v2 =	vld.idx.msk [tilespmem:v42+s3+$0x0], $0xffff  }
0x68: {  	v3 =	vld.idx.msk [tilespmem:v43+s3+$0x0], $0xffff  }
0x69: {  	v4 =	vld.idx.msk [tilespmem:v44+s3+$0x0], $0xffff  }
0x6a: {  	v5 =	vld.idx.msk [tilespmem:v45+s3+$0x0], $0xffff  }
0x6b: {  	v6 =	vld.idx.msk [tilespmem:v46+s3+$0x0], $0xffff  }
0x6c: {  	v7 =	vld.idx.msk [tilespmem:v47+s3+$0x0], $0xffff;
	[tilespmem:s1+$0x5400] =	vst v0  }
0x6d: {  	v50 =	vld [tilespmem:s1+$0x1820];
	[tilespmem:s1+$0x5410] =	vst v1  }
0x6e: {  	v51 =	vld [tilespmem:s1+$0x1830];
	[tilespmem:s1+$0x5420] =	vst v2  }
0x6f: {  	v52 =	vld [tilespmem:s1+$0x1840];
	[tilespmem:s1+$0x5430] =	vst v3  }
0x70: {  	v53 =	vld [tilespmem:s1+$0x1850];
	[tilespmem:s1+$0x5440] =	vst v4  }
0x71: {  	v54 =	vld [tilespmem:s1+$0x1860];
	[tilespmem:s1+$0x5450] =	vst v5  }
0x72: {  	v55 =	vld [tilespmem:s1+$0x1870];
	[tilespmem:s1+$0x5460] =	vst v6  }
0x73: {  	v56 =	vld [tilespmem:s1+$0x1C00];
	[tilespmem:s1+$0x5470] =	vst v7  }
0x74: {  	v0 =	vld.idx.msk [tilespmem:v48+s3+$0x0], $0xffff  }
0x75: {  	v1 =	vld.idx.msk [tilespmem:v49+s3+$0x0], $0xffff  }
0x76: {  	v2 =	vld.idx.msk [tilespmem:v50+s3+$0x0], $0xffff  }
0x77: {  	v3 =	vld.idx.msk [tilespmem:v51+s3+$0x0], $0xffff  }
0x78: {  	v4 =	vld.idx.msk [tilespmem:v52+s3+$0x0], $0xffff  }
0x79: {  	v5 =	vld.idx.msk [tilespmem:v53+s3+$0x0], $0xffff  }
0x7a: {  	v6 =	vld.idx.msk [tilespmem:v54+s3+$0x0], $0xffff  }
0x7b: {  	v7 =	vld.idx.msk [tilespmem:v55+s3+$0x0], $0xffff;
	[tilespmem:s1+$0x5800] =	vst v0  }
0x7c: {  	v57 =	vld [tilespmem:s1+$0x1C10];
	[tilespmem:s1+$0x5810] =	vst v1  }
0x7d: {  	v58 =	vld [tilespmem:s1+$0x1C20];
	[tilespmem:s1+$0x5820] =	vst v2  }
0x7e: {  	v59 =	vld [tilespmem:s1+$0x1C30];
	[tilespmem:s1+$0x5830] =	vst v3  }
0x7f: {  	v60 =	vld [tilespmem:s1+$0x1C40];
	[tilespmem:s1+$0x5840] =	vst v4  }
0x80: {  	v61 =	vld [tilespmem:s1+$0x1C50];
	[tilespmem:s1+$0x5850] =	vst v5  }
0x81: {  	v62 =	vld [tilespmem:s1+$0x1C60];
	[tilespmem:s1+$0x5860] =	vst v6  }
0x82: {  	v63 =	vld [tilespmem:s1+$0x1C70];
	[tilespmem:s1+$0x5870] =	vst v7  }
0x83: {  	v0 =	vld.idx.msk [tilespmem:v56+s3+$0x0], $0xffff  }
0x84: {  	v1 =	vld.idx.msk [tilespmem:v57+s3+$0x0], $0xffff  }
0x85: {  	v2 =	vld.idx.msk [tilespmem:v58+s3+$0x0], $0xffff  }
0x86: {  	v3 =	vld.idx.msk [tilespmem:v59+s3+$0x0], $0xffff  }
0x87: {  	v4 =	vld.idx.msk [tilespmem:v60+s3+$0x0], $0xffff  }
0x88: {  	v5 =	vld.idx.msk [tilespmem:v61+s3+$0x0], $0xffff  }
0x89: {  	v6 =	vld.idx.msk [tilespmem:v62+s3+$0x0], $0xffff  }
0x8a: {  	v7 =	vld.idx.msk [tilespmem:v63+s3+$0x0], $0xffff;
	[tilespmem:s1+$0x5C00] =	vst v0  }
0x8b: {  	[tilespmem:s1+$0x5C10] =	vst v1  }
0x8c: {  	[tilespmem:s1+$0x5C20] =	vst v2  }
0x8d: {  	[tilespmem:s1+$0x5C30] =	vst v3  }
0x8e: {  	s16 =	sand.u32 $0x7, s30;
	[tilespmem:s1+$0x5C40] =	vst v4  }
0x8f: {  	s2 =	sshll.u32 s16, $0x7;
	[tilespmem:s1+$0x5C50] =	vst v5  }
0x90: {  	s2 =	sadd.s32 s2, s31;
	[tilespmem:s1+$0x5C60] =	vst v6  }
0x91: {  	[tilespmem:s1+$0x5C70] =	vst v7;
	s1 =	sor.u32 $0x1C00, s2  }
0x92: {  	s11 =	sor.u32 $0x1C10, s2;
	v0 =	vld [tilespmem:s1+$0x400]  }
0x93: {  	s12 =	sor.u32 $0x1C20, s2;
	v1 =	vld [tilespmem:s11+$0x400]  }
0x94: {  	s13 =	sor.u32 $0x1C30, s2;
	v2 =	vld [tilespmem:s12+$0x400]  }
0x95: {  	s14 =	sor.u32 $0x1C40, s2;
	v3 =	vld [tilespmem:s13+$0x400]  }
0x96: {  	s15 =	sor.u32 $0x1C50, s2;
	v4 =	vld [tilespmem:s14+$0x400]  }
0x97: {  	s16 =	sor.u32 $0x1C60, s2;
	v5 =	vld [tilespmem:s15+$0x400]  }
0x98: {  	s2 =	sor.u32 $0x1C70, s2;
	v6 =	vld [tilespmem:s16+$0x400]  }
0x99: {  	v7 =	vld [tilespmem:s2+$0x400]  }
0x9a: {  	v0 =	vld.idx.msk [tilespmem:v0+s3+$0x0], $0xffff  }
0x9b: {  	v1 =	vld.idx.msk [tilespmem:v1+s3+$0x0], $0xffff  }
0x9c: {  	v2 =	vld.idx.msk [tilespmem:v2+s3+$0x0], $0xffff  }
0x9d: {  	v3 =	vld.idx.msk [tilespmem:v3+s3+$0x0], $0xffff  }
0x9e: {  	v4 =	vld.idx.msk [tilespmem:v4+s3+$0x0], $0xffff  }
0x9f: {  	v5 =	vld.idx.msk [tilespmem:v5+s3+$0x0], $0xffff  }
0xa0: {  	v6 =	vld.idx.msk [tilespmem:v6+s3+$0x0], $0xffff  }
0xa1: {  	v7 =	vld.idx.msk [tilespmem:v7+s3+$0x0], $0xffff;
	[tilespmem:s1+$0x4400] =	vst v0  }
0xa2: {  	[tilespmem:s11+$0x4400] =	vst v1  }
0xa3: {  	p0 =	sne.s32 s0, $0x780;
	[tilespmem:s12+$0x4400] =	vst v2  }
.Ltmp0:
0xa4: {  	[tilespmem:s13+$0x4400] =	vst v3;
	(pc) =	sbr.rel @p0 .LBB2_2-.Ltmp0, $4  }
0xa5: {  	[tilespmem:s14+$0x4400] =	vst v4  }
0xa6: {  	[tilespmem:s15+$0x4400] =	vst v5  }
0xa7: {  	s30 =	sadd.s32 $0x1, s30;
	[tilespmem:s16+$0x4400] =	vst v6  }
0xa8: {  	s29 =	sadd.s32 $0x400, s29;
	s0 =	sadd.s32 $0x80, s0;
	s31 =	sadd.s32 $0x400, s31;
	[tilespmem:s2+$0x4400] =	vst v7  }
0xa9: {  	s0 =	simm.s32 $0x4400  }
0xaa: {  	[hbm4b:s5+s7] =	stream.strided.scatter [tilespmem:s0], [sflag:$0x2], $0x400, s10, s7, $0x38;
	[tilespmem:$0x8400] =	vst v63  }
0xab: {  	s11 =	sadd.s32 $0x80, s5;
	s1 =	simm.s32 $0x4800  }
0xac: {  	[hbm4b:s11+s7] =	stream.strided.scatter [tilespmem:s1], [sflag:$0x2], $0x400, s10, s7, $0x38;
	[tilespmem:$0x8400] =	vst v63  }
0xad: {  	s12 =	sadd.s32 $0x100, s5;
	s13 =	simm.s32 $0x4C00  }
0xae: {  	[hbm4b:s12+s7] =	stream.strided.scatter [tilespmem:s13], [sflag:$0x2], $0x400, s10, s7, $0x38;
	[tilespmem:$0x8400] =	vst v63  }
0xaf: {  	s14 =	sadd.s32 $0x180, s5;
	s15 =	simm.s32 $0x5000  }
0xb0: {  	[hbm4b:s14+s7] =	stream.strided.scatter [tilespmem:s15], [sflag:$0x2], $0x400, s10, s7, $0x38;
	[tilespmem:$0x8400] =	vst v63  }
0xb1: {  	s16 =	sadd.s32 $0x200, s5;
	s29 =	simm.s32 $0x5400  }
0xb2: {  	[hbm4b:s16+s7] =	stream.strided.scatter [tilespmem:s29], [sflag:$0x2], $0x400, s10, s7, $0x38;
	[tilespmem:$0x8400] =	vst v63  }
0xb3: {  	s30 =	sadd.s32 $0x280, s5;
	s31 =	simm.s32 $0x5800  }
0xb4: {  	[hbm4b:s30+s7] =	stream.strided.scatter [tilespmem:s31], [sflag:$0x2], $0x400, s10, s7, $0x38;
	[tilespmem:$0x8400] =	vst v63  }
0xb5: {  	s2 =	sadd.s32 $0x300, s5  }
0xb6: {  	[hbm4b:s2+s7] =	stream.strided.scatter [tilespmem:s17], [sflag:$0x2], $0x400, s10, s7, $0x38;
	[tilespmem:$0x8400] =	vst v63  }
0xb7: {  	s11 =	sadd.s32 $0x380, s5  }
0xb8: {  	[hbm4b:s11+s7] =	stream.strided.scatter [tilespmem:s18], [sflag:$0x2], $0x400, s10, s7, $0x38;
	[tilespmem:$0x8400] =	vst v63  }
0xb9: {  	s12 =	sadd.s32 $0x8000, s5  }
0xba: {  	[hbm4b:s12+s7] =	stream.strided.scatter [tilespmem:s19], [sflag:$0x2], $0x400, s10, s7, $0x38;
	[tilespmem:$0x8400] =	vst v63  }
0xbb: {  	s13 =	sadd.s32 $0x8080, s5  }
0xbc: {  	[hbm4b:s13+s7] =	stream.strided.scatter [tilespmem:s20], [sflag:$0x2], $0x400, s10, s7, $0x38;
	[tilespmem:$0x8400] =	vst v63  }
0xbd: {  	s14 =	sadd.s32 $0x8100, s5  }
0xbe: {  	[hbm4b:s14+s7] =	stream.strided.scatter [tilespmem:s21], [sflag:$0x2], $0x400, s10, s7, $0x38;
	[tilespmem:$0x8400] =	vst v63  }
0xbf: {  	s15 =	sadd.s32 $0x8180, s5  }
0xc0: {  	[hbm4b:s15+s7] =	stream.strided.scatter [tilespmem:s22], [sflag:$0x2], $0x400, s10, s7, $0x38;
	[tilespmem:$0x8400] =	vst v63  }
0xc1: {  	s16 =	sadd.s32 $0x8200, s5  }
0xc2: {  	[hbm4b:s16+s7] =	stream.strided.scatter [tilespmem:s23], [sflag:$0x2], $0x400, s10, s7, $0x38;
	[tilespmem:$0x8400] =	vst v63  }
0xc3: {  	s28 =	sadd.s32 $0x1, s28;
	s29 =	sadd.s32 $0x8280, s5  }
0xc4: {  	[hbm4b:s29+s7] =	stream.strided.scatter [tilespmem:s24], [sflag:$0x2], $0x400, s10, s7, $0x38;
	[tilespmem:$0x8400] =	vst v63  }
0xc5: {  	p0 =	sne.s32 s28, s6;
	s30 =	sadd.s32 $0x8300, s5  }
0xc6: {  	[hbm4b:s30+s7] =	stream.strided.scatter [tilespmem:s25], [sflag:$0x2], $0x400, s10, s7, $0x38;
	[tilespmem:$0x8400] =	vst v63  }
.Ltmp1:
0xc7: {  	s31 =	sadd.s32 $0x8380, s5;
	(pc) =	sbr.rel @p0 .LBB2_1-.Ltmp1, $4  }
0xc8: {  	[hbm4b:s31+s7] =	stream.strided.scatter [tilespmem:s10], [sflag:$0x2], $0x400, s10, s7, $0x38;
	[tilespmem:$0x8400] =	vst v63  }
0xc9: {  	_ =	swait.ge [sflag:s26], $0x4000  }
0xca: {  	[sflag:s26] =	ssyncset.done $0x0  }
0xcb: {  	[sflag:s26] =	ssyncadd.s32 $0xFFFFC000  }
0xcc: {  	_ =	sfence.sel $0x180000  }
0xcd: {  	[bflag:$0x0] =	sbarrier.arrive $0xFFFF  }
0xce: {  	_ =	strace $0x90000047  }
0xcf: {  	s0 =	stileid.u32;
	[bflag:$0x2] =	sbarrier.arrive $0xFFFF  }
0xd0: {  	p0 =	sne.s32 s0, $0x0;
	s0 =	rddreg [dreg:$0x3]  }
0xd1: {  	s0 =	sadd.s32 @!p0 $0x100000, s0  }
0xd2: {  	[sflag:s0] =	ssyncadd.tile.s32 @!p0 $0x1;
	_ =	shalt  }
.Lfunc_end2:
_tile_overlayer_lowered:
.L_overlay_start_2:
0xd3: {  	(tag) =	ssettag $0x2  }
0xd4: {  	s0 =	rddreg [dreg:$0x0];
	s2 =	stileid.u32  }
0xd5: {  	s1 =	rddreg [dreg:$0x1];
	p0 =	sne.s32 s2, $0x0  }
0xd6: {  	s3 =	rddreg [dreg:$0x2];
	[bflag:$0x3] =	sbarrier.arrive $0xFFFF;
	s2 =	simm.s32 @!p0 $0x1C03  }
0xd7: {  	[timem:s3], [sflag:s2] =	dma.local @!p0 [hbm:s0], s1  }
0xd8: {  	s0 =	simm.s32 @!p0 $0x3  }
0xd9: {  	_ =	swait.ge @!p0 [sflag:s0], s1  }
0xda: {  	s1 =	ssub.s32 @!p0 $0x0, s1;
	[sflag:s0] =	ssyncset.done @!p0 $0x0  }
0xdb: {  	[sflag:s0] =	ssyncadd.s32 @!p0 s1  }
0xdc: {  	[bflag:$0x3] =	sbarrier.arrive $0xFFFF  }
0xdd: {  	_ =	shalt  }

</sc_bundles>
